<compile_context>
chip_gen: v7x
topology: tpu7x:2x2x1
jax: 0.10.2.dev20260603
libtpu: 0.0.44.dev20260713+nightly
codegen_flags: <defaults>
</compile_context>

<pallas_src>
import jax
import jax.numpy as jnp
from jax import lax
from jax.experimental import pallas as pl
from jax.experimental.pallas import tpu as pltpu
from jax.experimental.pallas import tpu_sc as plsc

NUM_EMBEDDINGS = 8192
EMBEDDING_DIM = 32
COMMITMENT_COST = 0.25

_ROWS = 32768
_NC, _NS = 2, 16
_NW = _NC * _NS
_BPW = _ROWS // _NW
_CHUNK = 128
_NCHUNK = _BPW // _CHUNK


def _l2_normalize(x):
    n = jnp.linalg.norm(x, ord=2, axis=1, keepdims=True)
    return x / jnp.maximum(n, 1e-12)


def _sc_gather_body(emb_hbm, idx_hbm, q_hbm, idx_v, rows_a, rows_b, sem_a, sem_b):
    cid = lax.axis_index("c")
    sid = lax.axis_index("s")
    wid = sid * _NC + cid
    base = wid * _BPW
    pltpu.sync_copy(idx_hbm.at[wid], idx_v)
    rows = (rows_a, rows_b)
    sems = (sem_a, sem_b)
    cur = pltpu.async_copy(emb_hbm.at[idx_v.at[0]], rows[0], sems[0])
    for j in range(_NCHUNK):
        nxt = None
        if j + 1 < _NCHUNK:
            nxt = pltpu.async_copy(
                emb_hbm.at[idx_v.at[j + 1]], rows[(j + 1) % 2], sems[(j + 1) % 2])
        cur.wait()
        pltpu.sync_copy(rows[j % 2], q_hbm.at[pl.ds(base + j * _CHUNK, _CHUNK)])
        cur = nxt


def _make_sc_gather():
    return pl.kernel(
        _sc_gather_body,
        out_type=jax.ShapeDtypeStruct((_ROWS, EMBEDDING_DIM), jnp.float32),
        mesh=plsc.VectorSubcoreMesh(core_axis_name="c", subcore_axis_name="s"),
        scratch_types=[
            pltpu.VMEM((_NCHUNK, _CHUNK), jnp.int32),
            pltpu.VMEM((_CHUNK, EMBEDDING_DIM), jnp.float32),
            pltpu.VMEM((_CHUNK, EMBEDDING_DIM), jnp.float32),
            pltpu.SemaphoreType.DMA,
            pltpu.SemaphoreType.DMA,
        ],
        compiler_params=pltpu.CompilerParams(use_tc_tiling_on_sc=False),
    )


def _finalize_body(x_ref, q_ref, counts_ref, qst_ref, vq_ref, perp_ref, use_ref):
    x = x_ref[...]
    q = q_ref[...]
    diff = q - x
    n = jnp.float32(_ROWS * EMBEDDING_DIM)
    e_loss = jnp.sum(diff * diff) / n
    qst = x + (q - x)
    qst_ref[...] = qst
    d2 = qst - x
    q_loss = jnp.sum(d2 * d2) / n
    vq_ref[0, 0] = q_loss + COMMITMENT_COST * e_loss
    avg = counts_ref[...].astype(jnp.float32) / jnp.float32(_ROWS)
    perp_ref[0, 0] = jnp.exp(-jnp.sum(avg * jnp.log(avg + 1e-10)))
    use_ref[0, 0] = jnp.sum((avg > 0).astype(jnp.float32)) / jnp.float32(NUM_EMBEDDINGS)


def kernel(inputs, embeddings):
    input_shape = inputs.shape
    flat = inputs.reshape(-1, EMBEDDING_DIM)

    fin = _l2_normalize(flat)
    en = _l2_normalize(embeddings)
    distances = (jnp.sum(fin ** 2, axis=1, keepdims=True)
                 + jnp.sum(en ** 2, axis=1)
                 - 2.0 * jnp.matmul(fin, en.T))
    indices = jnp.argmin(distances, axis=1)
    counts = jnp.bincount(indices, length=NUM_EMBEDDINGS)

    idx3 = indices.reshape(_NW, _NCHUNK, _CHUNK)
    q = _make_sc_gather()(embeddings, idx3)

    qst, vq, perp, use = pl.pallas_call(
        _finalize_body,
        in_specs=[
            pl.BlockSpec(memory_space=pltpu.VMEM),
            pl.BlockSpec(memory_space=pltpu.VMEM),
            pl.BlockSpec(memory_space=pltpu.VMEM),
        ],
        out_specs=[
            pl.BlockSpec(memory_space=pltpu.VMEM),
            pl.BlockSpec(memory_space=pltpu.SMEM),
            pl.BlockSpec(memory_space=pltpu.SMEM),
            pl.BlockSpec(memory_space=pltpu.SMEM),
        ],
        out_shape=[
            jax.ShapeDtypeStruct((_ROWS * EMBEDDING_DIM // 128, 128), jnp.float32),
            jax.ShapeDtypeStruct((1, 1), jnp.float32),
            jax.ShapeDtypeStruct((1, 1), jnp.float32),
            jax.ShapeDtypeStruct((1, 1), jnp.float32),
        ],
    )(flat.reshape(-1, 128), q.reshape(-1, 128), counts.reshape(1, NUM_EMBEDDINGS))

    return (qst.reshape(input_shape), indices,
            jnp.reshape(vq, ()), jnp.reshape(perp, ()), jnp.reshape(use, ()))

# --- scband reference (transcript-rebuilt; emitter-appended) ---
"""Pipeline reference for scband-vector-quantizer-light-14766097563862 (READ-ONLY COPY).

The authoritative reference and input builder live on the scoring server;
editing this copy changes nothing except your own understanding.
"""

import jax, jax.numpy as jnp
import numpy as np

NUM_EMBEDDINGS = 8192
EMBEDDING_DIM = 32
COMMITMENT_COST = 0.25


def _l2_normalize(x, axis=1, eps=1e-12):
    norm = jnp.linalg.norm(x, ord=2, axis=axis, keepdims=True)
    return x / jnp.maximum(norm, eps)


def setup_inputs(seed: int = 0) -> dict:
    key = jax.random.key(seed)
    k1, k2 = jax.random.split(key)
    inputs = jax.random.normal(k1, (32, 1024, 32), dtype=jnp.float32)
    # xavier_uniform on (K, D): bound = sqrt(6/(K+D))
    bound = float(np.sqrt(6.0 / (NUM_EMBEDDINGS + EMBEDDING_DIM)))
    embeddings = jax.random.uniform(k2, (NUM_EMBEDDINGS, EMBEDDING_DIM), dtype=jnp.float32, minval=-bound, maxval=bound)
    return {"inputs": inputs, "embeddings": embeddings}


def reference(inputs, embeddings):
    input_shape = inputs.shape
    flat_input = inputs.reshape(-1, EMBEDDING_DIM)
    flat_input_norm = _l2_normalize(flat_input, axis=1)
    embeddings_norm = _l2_normalize(embeddings, axis=1)
    distances = (jnp.sum(flat_input_norm ** 2, axis=1, keepdims=True)
                 + jnp.sum(embeddings_norm ** 2, axis=1)
                 - 2.0 * jnp.matmul(flat_input_norm, embeddings_norm.T))
    encoding_indices = jnp.argmin(distances, axis=1)
    quantized = jnp.take(embeddings, encoding_indices, axis=0)
    # eval mode: no EMA update
    e_latent_loss = jnp.mean((jax.lax.stop_gradient(quantized) - flat_input) ** 2)
    quantized_st = flat_input + jax.lax.stop_gradient(quantized - flat_input)
    q_latent_loss = jnp.mean((quantized_st - jax.lax.stop_gradient(flat_input)) ** 2)
    vq_loss = q_latent_loss + COMMITMENT_COST * e_latent_loss
    quantized_out = quantized_st.reshape(input_shape)
    n_tokens = flat_input.shape[0]
    avg_probs = jnp.bincount(encoding_indices, length=NUM_EMBEDDINGS).astype(jnp.float32) / n_tokens
    perplexity = jnp.exp(-jnp.sum(avg_probs * jnp.log(avg_probs + 1e-10)))
    codebook_usage = (avg_probs > 0).sum().astype(jnp.float32) / NUM_EMBEDDINGS
    return (quantized_out, encoding_indices, vq_loss, perplexity, codebook_usage)

if __name__ == "__main__":
    import jax
    _d = setup_inputs()
    print(jax.jit(kernel)(*tuple(_d.values())))

</pallas_src>

<mosaic_0001>
#map = affine_map<(d0, d1) -> (0, 0)>
#map1 = affine_map<(d0, d1) -> (0, 0, 0)>
module attributes {stable_mosaic.version = 14 : i64} {
  func.func @_sc_gather_body(%arg0: i32, %arg1: i32, %arg2: memref<8192x32xf32, #tpu.memory_space<hbm>>, %arg3: memref<32x8x128xi32, #tpu.memory_space<hbm>>, %arg4: memref<32768x32xf32, #tpu.memory_space<hbm>>, %arg5: memref<8x128xi32, #tpu.memory_space<vmem>>, %arg6: memref<128x32xf32, #tpu.memory_space<vmem>>, %arg7: memref<128x32xf32, #tpu.memory_space<vmem>>, %arg8: memref<!tpu.dma_semaphore, #tpu.memory_space<semaphore_mem>>, %arg9: memref<!tpu.dma_semaphore, #tpu.memory_space<semaphore_mem>>) attributes {dimension_semantics = [#tpu.dimension_semantics<core_parallel>, #tpu.dimension_semantics<subcore_parallel>], iteration_bounds = array<i64: 2, 16>, scalar_prefetch = 0 : i64, scratch_operands = 5 : i64, tpu.core_type = #tpu.core_type<sc_vector_subcore>, window_params = [{transform_indices = #map}, {transform_indices = #map1}, {transform_indices = #map}]} {
    %mul3A = arith.constant 2 : i32
    %mul3A_0 = arith.muli %arg1, %mul3A : i32
    %add3A = arith.addi %mul3A_0, %arg0 : i32
    %mul3A_1 = arith.constant 1024 : i32
    %mul3A_2 = arith.muli %add3A, %mul3A_1 : i32
    "tpu.region"() ({
      %run_scoped3A = tpu.sem_alloc : memref<!tpu.dma_semaphore, #tpu.memory_space<semaphore_mem>>
      %dma_start3A_129 = arith.constant 0 : i32
      %dma_start3A_130 = arith.constant 0 : i32
      %dma_start3A_131 = tpu.memref_slice %arg3[%add3A, %dma_start3A_129, %dma_start3A_130] : memref<32x8x128xi32, #tpu.memory_space<hbm>> -> memref<1x8x128xi32, #tpu.memory_space<hbm>>
      %dma_start3A_132 = tpu.memref_squeeze %dma_start3A_131 : memref<1x8x128xi32, #tpu.memory_space<hbm>> -> memref<8x128xi32, #tpu.memory_space<hbm>>
      %dma_start3A_133 = arith.constant 0 : i32
      %dma_start3A_134 = arith.constant 0 : i32
      %dma_start3A_135 = tpu.memref_slice %arg3[%add3A, %dma_start3A_133, %dma_start3A_134] : memref<32x8x128xi32, #tpu.memory_space<hbm>> -> memref<1x8x128xi32, #tpu.memory_space<hbm>>
      %dma_start3A_136 = tpu.memref_squeeze %dma_start3A_135 : memref<1x8x128xi32, #tpu.memory_space<hbm>> -> memref<8x128xi32, #tpu.memory_space<hbm>>
      tpu.enqueue_dma source(%dma_start3A_136 : memref<8x128xi32, #tpu.memory_space<hbm>>) target(%arg5 : memref<8x128xi32, #tpu.memory_space<vmem>>) target_semaphore(%run_scoped3A : memref<!tpu.dma_semaphore, #tpu.memory_space<semaphore_mem>>)
      %dma_wait3A_137 = arith.constant 0 : i32
      %dma_wait3A_138 = arith.constant 0 : i32
      %dma_wait3A_139 = tpu.memref_slice %arg3[%add3A, %dma_wait3A_137, %dma_wait3A_138] : memref<32x8x128xi32, #tpu.memory_space<hbm>> -> memref<1x8x128xi32, #tpu.memory_space<hbm>>
      %dma_wait3A_140 = tpu.memref_squeeze %dma_wait3A_139 : memref<1x8x128xi32, #tpu.memory_space<hbm>> -> memref<8x128xi32, #tpu.memory_space<hbm>>
      %dma_wait3A_141 = arith.constant 0 : i32
      %dma_wait3A_142 = arith.constant 0 : i32
      %dma_wait3A_143 = tpu.memref_slice %arg3[%add3A, %dma_wait3A_141, %dma_wait3A_142] : memref<32x8x128xi32, #tpu.memory_space<hbm>> -> memref<1x8x128xi32, #tpu.memory_space<hbm>>
      %dma_wait3A_144 = tpu.memref_squeeze %dma_wait3A_143 : memref<1x8x128xi32, #tpu.memory_space<hbm>> -> memref<8x128xi32, #tpu.memory_space<hbm>>
      tpu.wait_dma2 semaphore(%run_scoped3A : memref<!tpu.dma_semaphore, #tpu.memory_space<semaphore_mem>>) src(%dma_wait3A_144 : memref<8x128xi32, #tpu.memory_space<hbm>>) dst(%arg5 : memref<8x128xi32, #tpu.memory_space<vmem>>)
      tpu.yield
    }) : () -> ()
    %dma_start3A = arith.constant 0 : i32
    %dma_start3A_3 = arith.constant 0 : i32
    %dma_start3A_4 = tpu.memref_slice %arg5[%dma_start3A, %dma_start3A_3] : memref<8x128xi32, #tpu.memory_space<vmem>> -> memref<1x128xi32, #tpu.memory_space<vmem>>
    %dma_start3A_5 = tpu.memref_squeeze %dma_start3A_4 : memref<1x128xi32, #tpu.memory_space<vmem>> -> memref<128xi32, #tpu.memory_space<vmem>>
    %dma_start3A_6 = arith.constant 0 : i32
    %dma_start3A_7 = arith.constant 0 : i32
    %dma_start3A_8 = tpu.memref_slice %arg2[%dma_start3A_6, %dma_start3A_7] : memref<8192x32xf32, #tpu.memory_space<hbm>> -> memref<8192x32xf32, #tpu.memory_space<hbm>>
    tpu.enqueue_indirect_dma source(%dma_start3A_8 : memref<8192x32xf32, #tpu.memory_space<hbm>>) target(%arg6 : memref<128x32xf32, #tpu.memory_space<vmem>>) offsets(%dma_start3A_5 : memref<128xi32, #tpu.memory_space<vmem>>) semaphore(%arg8 : memref<!tpu.dma_semaphore, #tpu.memory_space<semaphore_mem>>)
    %dma_start3A_9 = arith.constant 1 : i32
    %dma_start3A_10 = arith.constant 0 : i32
    %dma_start3A_11 = tpu.memref_slice %arg5[%dma_start3A_9, %dma_start3A_10] : memref<8x128xi32, #tpu.memory_space<vmem>> -> memref<1x128xi32, #tpu.memory_space<vmem>>
    %dma_start3A_12 = tpu.memref_squeeze %dma_start3A_11 : memref<1x128xi32, #tpu.memory_space<vmem>> -> memref<128xi32, #tpu.memory_space<vmem>>
    %dma_start3A_13 = arith.constant 0 : i32
    %dma_start3A_14 = arith.constant 0 : i32
    %dma_start3A_15 = tpu.memref_slice %arg2[%dma_start3A_13, %dma_start3A_14] : memref<8192x32xf32, #tpu.memory_space<hbm>> -> memref<8192x32xf32, #tpu.memory_space<hbm>>
    tpu.enqueue_indirect_dma source(%dma_start3A_15 : memref<8192x32xf32, #tpu.memory_space<hbm>>) target(%arg7 : memref<128x32xf32, #tpu.memory_space<vmem>>) offsets(%dma_start3A_12 : memref<128xi32, #tpu.memory_space<vmem>>) semaphore(%arg9 : memref<!tpu.dma_semaphore, #tpu.memory_space<semaphore_mem>>)
    %dma_wait3A = arith.constant 0 : i32
    %dma_wait3A_16 = arith.constant 0 : i32
    %dma_wait3A_17 = tpu.memref_slice %arg5[%dma_wait3A, %dma_wait3A_16] : memref<8x128xi32, #tpu.memory_space<vmem>> -> memref<1x128xi32, #tpu.memory_space<vmem>>
    %dma_wait3A_18 = tpu.memref_squeeze %dma_wait3A_17 : memref<1x128xi32, #tpu.memory_space<vmem>> -> memref<128xi32, #tpu.memory_space<vmem>>
    %dma_wait3A_19 = arith.constant 0 : i32
    %dma_wait3A_20 = arith.constant 0 : i32
    %dma_wait3A_21 = tpu.memref_slice %arg2[%dma_wait3A_19, %dma_wait3A_20] : memref<8192x32xf32, #tpu.memory_space<hbm>> -> memref<8192x32xf32, #tpu.memory_space<hbm>>
    tpu.wait_indirect_dma semaphore(%arg8 : memref<!tpu.dma_semaphore, #tpu.memory_space<semaphore_mem>>) src(%dma_wait3A_21 : memref<8192x32xf32, #tpu.memory_space<hbm>>) dst(%arg6 : memref<128x32xf32, #tpu.memory_space<vmem>>)
    %add3A_22 = arith.constant 0 : i32
    %add3A_23 = arith.addi %mul3A_2, %add3A_22 : i32
    "tpu.region"() ({
      %run_scoped3A = tpu.sem_alloc : memref<!tpu.dma_semaphore, #tpu.memory_space<semaphore_mem>>
      %dma_start3A_129 = arith.constant 0 : i32
      %dma_start3A_130 = tpu.memref_slice %arg4[%add3A_23, %dma_start3A_129] : memref<32768x32xf32, #tpu.memory_space<hbm>> -> memref<128x32xf32, #tpu.memory_space<hbm>>
      %dma_start3A_131 = arith.constant 0 : i32
      %dma_start3A_132 = tpu.memref_slice %arg4[%add3A_23, %dma_start3A_131] : memref<32768x32xf32, #tpu.memory_space<hbm>> -> memref<128x32xf32, #tpu.memory_space<hbm>>
      tpu.enqueue_dma source(%arg6 : memref<128x32xf32, #tpu.memory_space<vmem>>) target(%dma_start3A_132 : memref<128x32xf32, #tpu.memory_space<hbm>>) target_semaphore(%run_scoped3A : memref<!tpu.dma_semaphore, #tpu.memory_space<semaphore_mem>>)
      %dma_wait3A_133 = arith.constant 0 : i32
      %dma_wait3A_134 = tpu.memref_slice %arg4[%add3A_23, %dma_wait3A_133] : memref<32768x32xf32, #tpu.memory_space<hbm>> -> memref<128x32xf32, #tpu.memory_space<hbm>>
      %dma_wait3A_135 = arith.constant 0 : i32
      %dma_wait3A_136 = tpu.memref_slice %arg4[%add3A_23, %dma_wait3A_135] : memref<32768x32xf32, #tpu.memory_space<hbm>> -> memref<128x32xf32, #tpu.memory_space<hbm>>
      tpu.wait_dma2 semaphore(%run_scoped3A : memref<!tpu.dma_semaphore, #tpu.memory_space<semaphore_mem>>) src(%arg6 : memref<128x32xf32, #tpu.memory_space<vmem>>) dst(%dma_wait3A_136 : memref<128x32xf32, #tpu.memory_space<hbm>>)
      tpu.yield
    }) : () -> ()
    %dma_start3A_24 = arith.constant 2 : i32
    %dma_start3A_25 = arith.constant 0 : i32
    %dma_start3A_26 = tpu.memref_slice %arg5[%dma_start3A_24, %dma_start3A_25] : memref<8x128xi32, #tpu.memory_space<vmem>> -> memref<1x128xi32, #tpu.memory_space<vmem>>
    %dma_start3A_27 = tpu.memref_squeeze %dma_start3A_26 : memref<1x128xi32, #tpu.memory_space<vmem>> -> memref<128xi32, #tpu.memory_space<vmem>>
    %dma_start3A_28 = arith.constant 0 : i32
    %dma_start3A_29 = arith.constant 0 : i32
    %dma_start3A_30 = tpu.memref_slice %arg2[%dma_start3A_28, %dma_start3A_29] : memref<8192x32xf32, #tpu.memory_space<hbm>> -> memref<8192x32xf32, #tpu.memory_space<hbm>>
    tpu.enqueue_indirect_dma source(%dma_start3A_30 : memref<8192x32xf32, #tpu.memory_space<hbm>>) target(%arg6 : memref<128x32xf32, #tpu.memory_space<vmem>>) offsets(%dma_start3A_27 : memref<128xi32, #tpu.memory_space<vmem>>) semaphore(%arg8 : memref<!tpu.dma_semaphore, #tpu.memory_space<semaphore_mem>>)
    %dma_wait3A_31 = arith.constant 1 : i32
    %dma_wait3A_32 = arith.constant 0 : i32
    %dma_wait3A_33 = tpu.memref_slice %arg5[%dma_wait3A_31, %dma_wait3A_32] : memref<8x128xi32, #tpu.memory_space<vmem>> -> memref<1x128xi32, #tpu.memory_space<vmem>>
    %dma_wait3A_34 = tpu.memref_squeeze %dma_wait3A_33 : memref<1x128xi32, #tpu.memory_space<vmem>> -> memref<128xi32, #tpu.memory_space<vmem>>
    %dma_wait3A_35 = arith.constant 0 : i32
    %dma_wait3A_36 = arith.constant 0 : i32
    %dma_wait3A_37 = tpu.memref_slice %arg2[%dma_wait3A_35, %dma_wait3A_36] : memref<8192x32xf32, #tpu.memory_space<hbm>> -> memref<8192x32xf32, #tpu.memory_space<hbm>>
    tpu.wait_indirect_dma semaphore(%arg9 : memref<!tpu.dma_semaphore, #tpu.memory_space<semaphore_mem>>) src(%dma_wait3A_37 : memref<8192x32xf32, #tpu.memory_space<hbm>>) dst(%arg7 : memref<128x32xf32, #tpu.memory_space<vmem>>)
    %add3A_38 = arith.constant 128 : i32
    %add3A_39 = arith.addi %mul3A_2, %add3A_38 : i32
    "tpu.region"() ({
      %run_scoped3A = tpu.sem_alloc : memref<!tpu.dma_semaphore, #tpu.memory_space<semaphore_mem>>
      %dma_start3A_129 = arith.constant 0 : i32
      %dma_start3A_130 = tpu.memref_slice %arg4[%add3A_39, %dma_start3A_129] : memref<32768x32xf32, #tpu.memory_space<hbm>> -> memref<128x32xf32, #tpu.memory_space<hbm>>
      %dma_start3A_131 = arith.constant 0 : i32
      %dma_start3A_132 = tpu.memref_slice %arg4[%add3A_39, %dma_start3A_131] : memref<32768x32xf32, #tpu.memory_space<hbm>> -> memref<128x32xf32, #tpu.memory_space<hbm>>
      tpu.enqueue_dma source(%arg7 : memref<128x32xf32, #tpu.memory_space<vmem>>) target(%dma_start3A_132 : memref<128x32xf32, #tpu.memory_space<hbm>>) target_semaphore(%run_scoped3A : memref<!tpu.dma_semaphore, #tpu.memory_space<semaphore_mem>>)
      %dma_wait3A_133 = arith.constant 0 : i32
      %dma_wait3A_134 = tpu.memref_slice %arg4[%add3A_39, %dma_wait3A_133] : memref<32768x32xf32, #tpu.memory_space<hbm>> -> memref<128x32xf32, #tpu.memory_space<hbm>>
      %dma_wait3A_135 = arith.constant 0 : i32
      %dma_wait3A_136 = tpu.memref_slice %arg4[%add3A_39, %dma_wait3A_135] : memref<32768x32xf32, #tpu.memory_space<hbm>> -> memref<128x32xf32, #tpu.memory_space<hbm>>
      tpu.wait_dma2 semaphore(%run_scoped3A : memref<!tpu.dma_semaphore, #tpu.memory_space<semaphore_mem>>) src(%arg7 : memref<128x32xf32, #tpu.memory_space<vmem>>) dst(%dma_wait3A_136 : memref<128x32xf32, #tpu.memory_space<hbm>>)
      tpu.yield
    }) : () -> ()
    %dma_start3A_40 = arith.constant 3 : i32
    %dma_start3A_41 = arith.constant 0 : i32
    %dma_start3A_42 = tpu.memref_slice %arg5[%dma_start3A_40, %dma_start3A_41] : memref<8x128xi32, #tpu.memory_space<vmem>> -> memref<1x128xi32, #tpu.memory_space<vmem>>
    %dma_start3A_43 = tpu.memref_squeeze %dma_start3A_42 : memref<1x128xi32, #tpu.memory_space<vmem>> -> memref<128xi32, #tpu.memory_space<vmem>>
    %dma_start3A_44 = arith.constant 0 : i32
    %dma_start3A_45 = arith.constant 0 : i32
    %dma_start3A_46 = tpu.memref_slice %arg2[%dma_start3A_44, %dma_start3A_45] : memref<8192x32xf32, #tpu.memory_space<hbm>> -> memref<8192x32xf32, #tpu.memory_space<hbm>>
    tpu.enqueue_indirect_dma source(%dma_start3A_46 : memref<8192x32xf32, #tpu.memory_space<hbm>>) target(%arg7 : memref<128x32xf32, #tpu.memory_space<vmem>>) offsets(%dma_start3A_43 : memref<128xi32, #tpu.memory_space<vmem>>) semaphore(%arg9 : memref<!tpu.dma_semaphore, #tpu.memory_space<semaphore_mem>>)
    %dma_wait3A_47 = arith.constant 2 : i32
    %dma_wait3A_48 = arith.constant 0 : i32
    %dma_wait3A_49 = tpu.memref_slice %arg5[%dma_wait3A_47, %dma_wait3A_48] : memref<8x128xi32, #tpu.memory_space<vmem>> -> memref<1x128xi32, #tpu.memory_space<vmem>>
    %dma_wait3A_50 = tpu.memref_squeeze %dma_wait3A_49 : memref<1x128xi32, #tpu.memory_space<vmem>> -> memref<128xi32, #tpu.memory_space<vmem>>
    %dma_wait3A_51 = arith.constant 0 : i32
    %dma_wait3A_52 = arith.constant 0 : i32
    %dma_wait3A_53 = tpu.memref_slice %arg2[%dma_wait3A_51, %dma_wait3A_52] : memref<8192x32xf32, #tpu.memory_space<hbm>> -> memref<8192x32xf32, #tpu.memory_space<hbm>>
    tpu.wait_indirect_dma semaphore(%arg8 : memref<!tpu.dma_semaphore, #tpu.memory_space<semaphore_mem>>) src(%dma_wait3A_53 : memref<8192x32xf32, #tpu.memory_space<hbm>>) dst(%arg6 : memref<128x32xf32, #tpu.memory_space<vmem>>)
    %add3A_54 = arith.constant 256 : i32
    %add3A_55 = arith.addi %mul3A_2, %add3A_54 : i32
    "tpu.region"() ({
      %run_scoped3A = tpu.sem_alloc : memref<!tpu.dma_semaphore, #tpu.memory_space<semaphore_mem>>
      %dma_start3A_129 = arith.constant 0 : i32
      %dma_start3A_130 = tpu.memref_slice %arg4[%add3A_55, %dma_start3A_129] : memref<32768x32xf32, #tpu.memory_space<hbm>> -> memref<128x32xf32, #tpu.memory_space<hbm>>
      %dma_start3A_131 = arith.constant 0 : i32
      %dma_start3A_132 = tpu.memref_slice %arg4[%add3A_55, %dma_start3A_131] : memref<32768x32xf32, #tpu.memory_space<hbm>> -> memref<128x32xf32, #tpu.memory_space<hbm>>
      tpu.enqueue_dma source(%arg6 : memref<128x32xf32, #tpu.memory_space<vmem>>) target(%dma_start3A_132 : memref<128x32xf32, #tpu.memory_space<hbm>>) target_semaphore(%run_scoped3A : memref<!tpu.dma_semaphore, #tpu.memory_space<semaphore_mem>>)
      %dma_wait3A_133 = arith.constant 0 : i32
      %dma_wait3A_134 = tpu.memref_slice %arg4[%add3A_55, %dma_wait3A_133] : memref<32768x32xf32, #tpu.memory_space<hbm>> -> memref<128x32xf32, #tpu.memory_space<hbm>>
      %dma_wait3A_135 = arith.constant 0 : i32
      %dma_wait3A_136 = tpu.memref_slice %arg4[%add3A_55, %dma_wait3A_135] : memref<32768x32xf32, #tpu.memory_space<hbm>> -> memref<128x32xf32, #tpu.memory_space<hbm>>
      tpu.wait_dma2 semaphore(%run_scoped3A : memref<!tpu.dma_semaphore, #tpu.memory_space<semaphore_mem>>) src(%arg6 : memref<128x32xf32, #tpu.memory_space<vmem>>) dst(%dma_wait3A_136 : memref<128x32xf32, #tpu.memory_space<hbm>>)
      tpu.yield
    }) : () -> ()
    %dma_start3A_56 = arith.constant 4 : i32
    %dma_start3A_57 = arith.constant 0 : i32
    %dma_start3A_58 = tpu.memref_slice %arg5[%dma_start3A_56, %dma_start3A_57] : memref<8x128xi32, #tpu.memory_space<vmem>> -> memref<1x128xi32, #tpu.memory_space<vmem>>
    %dma_start3A_59 = tpu.memref_squeeze %dma_start3A_58 : memref<1x128xi32, #tpu.memory_space<vmem>> -> memref<128xi32, #tpu.memory_space<vmem>>
    %dma_start3A_60 = arith.constant 0 : i32
    %dma_start3A_61 = arith.constant 0 : i32
    %dma_start3A_62 = tpu.memref_slice %arg2[%dma_start3A_60, %dma_start3A_61] : memref<8192x32xf32, #tpu.memory_space<hbm>> -> memref<8192x32xf32, #tpu.memory_space<hbm>>
    tpu.enqueue_indirect_dma source(%dma_start3A_62 : memref<8192x32xf32, #tpu.memory_space<hbm>>) target(%arg6 : memref<128x32xf32, #tpu.memory_space<vmem>>) offsets(%dma_start3A_59 : memref<128xi32, #tpu.memory_space<vmem>>) semaphore(%arg8 : memref<!tpu.dma_semaphore, #tpu.memory_space<semaphore_mem>>)
    %dma_wait3A_63 = arith.constant 3 : i32
    %dma_wait3A_64 = arith.constant 0 : i32
    %dma_wait3A_65 = tpu.memref_slice %arg5[%dma_wait3A_63, %dma_wait3A_64] : memref<8x128xi32, #tpu.memory_space<vmem>> -> memref<1x128xi32, #tpu.memory_space<vmem>>
    %dma_wait3A_66 = tpu.memref_squeeze %dma_wait3A_65 : memref<1x128xi32, #tpu.memory_space<vmem>> -> memref<128xi32, #tpu.memory_space<vmem>>
    %dma_wait3A_67 = arith.constant 0 : i32
    %dma_wait3A_68 = arith.constant 0 : i32
    %dma_wait3A_69 = tpu.memref_slice %arg2[%dma_wait3A_67, %dma_wait3A_68] : memref<8192x32xf32, #tpu.memory_space<hbm>> -> memref<8192x32xf32, #tpu.memory_space<hbm>>
    tpu.wait_indirect_dma semaphore(%arg9 : memref<!tpu.dma_semaphore, #tpu.memory_space<semaphore_mem>>) src(%dma_wait3A_69 : memref<8192x32xf32, #tpu.memory_space<hbm>>) dst(%arg7 : memref<128x32xf32, #tpu.memory_space<vmem>>)
    %add3A_70 = arith.constant 384 : i32
    %add3A_71 = arith.addi %mul3A_2, %add3A_70 : i32
    "tpu.region"() ({
      %run_scoped3A = tpu.sem_alloc : memref<!tpu.dma_semaphore, #tpu.memory_space<semaphore_mem>>
      %dma_start3A_129 = arith.constant 0 : i32
      %dma_start3A_130 = tpu.memref_slice %arg4[%add3A_71, %dma_start3A_129] : memref<32768x32xf32, #tpu.memory_space<hbm>> -> memref<128x32xf32, #tpu.memory_space<hbm>>
      %dma_start3A_131 = arith.constant 0 : i32
      %dma_start3A_132 = tpu.memref_slice %arg4[%add3A_71, %dma_start3A_131] : memref<32768x32xf32, #tpu.memory_space<hbm>> -> memref<128x32xf32, #tpu.memory_space<hbm>>
      tpu.enqueue_dma source(%arg7 : memref<128x32xf32, #tpu.memory_space<vmem>>) target(%dma_start3A_132 : memref<128x32xf32, #tpu.memory_space<hbm>>) target_semaphore(%run_scoped3A : memref<!tpu.dma_semaphore, #tpu.memory_space<semaphore_mem>>)
      %dma_wait3A_133 = arith.constant 0 : i32
      %dma_wait3A_134 = tpu.memref_slice %arg4[%add3A_71, %dma_wait3A_133] : memref<32768x32xf32, #tpu.memory_space<hbm>> -> memref<128x32xf32, #tpu.memory_space<hbm>>
      %dma_wait3A_135 = arith.constant 0 : i32
      %dma_wait3A_136 = tpu.memref_slice %arg4[%add3A_71, %dma_wait3A_135] : memref<32768x32xf32, #tpu.memory_space<hbm>> -> memref<128x32xf32, #tpu.memory_space<hbm>>
      tpu.wait_dma2 semaphore(%run_scoped3A : memref<!tpu.dma_semaphore, #tpu.memory_space<semaphore_mem>>) src(%arg7 : memref<128x32xf32, #tpu.memory_space<vmem>>) dst(%dma_wait3A_136 : memref<128x32xf32, #tpu.memory_space<hbm>>)
      tpu.yield
    }) : () -> ()
    %dma_start3A_72 = arith.constant 5 : i32
    %dma_start3A_73 = arith.constant 0 : i32
    %dma_start3A_74 = tpu.memref_slice %arg5[%dma_start3A_72, %dma_start3A_73] : memref<8x128xi32, #tpu.memory_space<vmem>> -> memref<1x128xi32, #tpu.memory_space<vmem>>
    %dma_start3A_75 = tpu.memref_squeeze %dma_start3A_74 : memref<1x128xi32, #tpu.memory_space<vmem>> -> memref<128xi32, #tpu.memory_space<vmem>>
    %dma_start3A_76 = arith.constant 0 : i32
    %dma_start3A_77 = arith.constant 0 : i32
    %dma_start3A_78 = tpu.memref_slice %arg2[%dma_start3A_76, %dma_start3A_77] : memref<8192x32xf32, #tpu.memory_space<hbm>> -> memref<8192x32xf32, #tpu.memory_space<hbm>>
    tpu.enqueue_indirect_dma source(%dma_start3A_78 : memref<8192x32xf32, #tpu.memory_space<hbm>>) target(%arg7 : memref<128x32xf32, #tpu.memory_space<vmem>>) offsets(%dma_start3A_75 : memref<128xi32, #tpu.memory_space<vmem>>) semaphore(%arg9 : memref<!tpu.dma_semaphore, #tpu.memory_space<semaphore_mem>>)
    %dma_wait3A_79 = arith.constant 4 : i32
    %dma_wait3A_80 = arith.constant 0 : i32
    %dma_wait3A_81 = tpu.memref_slice %arg5[%dma_wait3A_79, %dma_wait3A_80] : memref<8x128xi32, #tpu.memory_space<vmem>> -> memref<1x128xi32, #tpu.memory_space<vmem>>
    %dma_wait3A_82 = tpu.memref_squeeze %dma_wait3A_81 : memref<1x128xi32, #tpu.memory_space<vmem>> -> memref<128xi32, #tpu.memory_space<vmem>>
    %dma_wait3A_83 = arith.constant 0 : i32
    %dma_wait3A_84 = arith.constant 0 : i32
    %dma_wait3A_85 = tpu.memref_slice %arg2[%dma_wait3A_83, %dma_wait3A_84] : memref<8192x32xf32, #tpu.memory_space<hbm>> -> memref<8192x32xf32, #tpu.memory_space<hbm>>
    tpu.wait_indirect_dma semaphore(%arg8 : memref<!tpu.dma_semaphore, #tpu.memory_space<semaphore_mem>>) src(%dma_wait3A_85 : memref<8192x32xf32, #tpu.memory_space<hbm>>) dst(%arg6 : memref<128x32xf32, #tpu.memory_space<vmem>>)
    %add3A_86 = arith.constant 512 : i32
    %add3A_87 = arith.addi %mul3A_2, %add3A_86 : i32
    "tpu.region"() ({
      %run_scoped3A = tpu.sem_alloc : memref<!tpu.dma_semaphore, #tpu.memory_space<semaphore_mem>>
      %dma_start3A_129 = arith.constant 0 : i32
      %dma_start3A_130 = tpu.memref_slice %arg4[%add3A_87, %dma_start3A_129] : memref<32768x32xf32, #tpu.memory_space<hbm>> -> memref<128x32xf32, #tpu.memory_space<hbm>>
      %dma_start3A_131 = arith.constant 0 : i32
      %dma_start3A_132 = tpu.memref_slice %arg4[%add3A_87, %dma_start3A_131] : memref<32768x32xf32, #tpu.memory_space<hbm>> -> memref<128x32xf32, #tpu.memory_space<hbm>>
      tpu.enqueue_dma source(%arg6 : memref<128x32xf32, #tpu.memory_space<vmem>>) target(%dma_start3A_132 : memref<128x32xf32, #tpu.memory_space<hbm>>) target_semaphore(%run_scoped3A : memref<!tpu.dma_semaphore, #tpu.memory_space<semaphore_mem>>)
      %dma_wait3A_133 = arith.constant 0 : i32
      %dma_wait3A_134 = tpu.memref_slice %arg4[%add3A_87, %dma_wait3A_133] : memref<32768x32xf32, #tpu.memory_space<hbm>> -> memref<128x32xf32, #tpu.memory_space<hbm>>
      %dma_wait3A_135 = arith.constant 0 : i32
      %dma_wait3A_136 = tpu.memref_slice %arg4[%add3A_87, %dma_wait3A_135] : memref<32768x32xf32, #tpu.memory_space<hbm>> -> memref<128x32xf32, #tpu.memory_space<hbm>>
      tpu.wait_dma2 semaphore(%run_scoped3A : memref<!tpu.dma_semaphore, #tpu.memory_space<semaphore_mem>>) src(%arg6 : memref<128x32xf32, #tpu.memory_space<vmem>>) dst(%dma_wait3A_136 : memref<128x32xf32, #tpu.memory_space<hbm>>)
      tpu.yield
    }) : () -> ()
    %dma_start3A_88 = arith.constant 6 : i32
    %dma_start3A_89 = arith.constant 0 : i32
    %dma_start3A_90 = tpu.memref_slice %arg5[%dma_start3A_88, %dma_start3A_89] : memref<8x128xi32, #tpu.memory_space<vmem>> -> memref<1x128xi32, #tpu.memory_space<vmem>>
    %dma_start3A_91 = tpu.memref_squeeze %dma_start3A_90 : memref<1x128xi32, #tpu.memory_space<vmem>> -> memref<128xi32, #tpu.memory_space<vmem>>
    %dma_start3A_92 = arith.constant 0 : i32
    %dma_start3A_93 = arith.constant 0 : i32
    %dma_start3A_94 = tpu.memref_slice %arg2[%dma_start3A_92, %dma_start3A_93] : memref<8192x32xf32, #tpu.memory_space<hbm>> -> memref<8192x32xf32, #tpu.memory_space<hbm>>
    tpu.enqueue_indirect_dma source(%dma_start3A_94 : memref<8192x32xf32, #tpu.memory_space<hbm>>) target(%arg6 : memref<128x32xf32, #tpu.memory_space<vmem>>) offsets(%dma_start3A_91 : memref<128xi32, #tpu.memory_space<vmem>>) semaphore(%arg8 : memref<!tpu.dma_semaphore, #tpu.memory_space<semaphore_mem>>)
    %dma_wait3A_95 = arith.constant 5 : i32
    %dma_wait3A_96 = arith.constant 0 : i32
    %dma_wait3A_97 = tpu.memref_slice %arg5[%dma_wait3A_95, %dma_wait3A_96] : memref<8x128xi32, #tpu.memory_space<vmem>> -> memref<1x128xi32, #tpu.memory_space<vmem>>
    %dma_wait3A_98 = tpu.memref_squeeze %dma_wait3A_97 : memref<1x128xi32, #tpu.memory_space<vmem>> -> memref<128xi32, #tpu.memory_space<vmem>>
    %dma_wait3A_99 = arith.constant 0 : i32
    %dma_wait3A_100 = arith.constant 0 : i32
    %dma_wait3A_101 = tpu.memref_slice %arg2[%dma_wait3A_99, %dma_wait3A_100] : memref<8192x32xf32, #tpu.memory_space<hbm>> -> memref<8192x32xf32, #tpu.memory_space<hbm>>
    tpu.wait_indirect_dma semaphore(%arg9 : memref<!tpu.dma_semaphore, #tpu.memory_space<semaphore_mem>>) src(%dma_wait3A_101 : memref<8192x32xf32, #tpu.memory_space<hbm>>) dst(%arg7 : memref<128x32xf32, #tpu.memory_space<vmem>>)
    %add3A_102 = arith.constant 640 : i32
    %add3A_103 = arith.addi %mul3A_2, %add3A_102 : i32
    "tpu.region"() ({
      %run_scoped3A = tpu.sem_alloc : memref<!tpu.dma_semaphore, #tpu.memory_space<semaphore_mem>>
      %dma_start3A_129 = arith.constant 0 : i32
      %dma_start3A_130 = tpu.memref_slice %arg4[%add3A_103, %dma_start3A_129] : memref<32768x32xf32, #tpu.memory_space<hbm>> -> memref<128x32xf32, #tpu.memory_space<hbm>>
      %dma_start3A_131 = arith.constant 0 : i32
      %dma_start3A_132 = tpu.memref_slice %arg4[%add3A_103, %dma_start3A_131] : memref<32768x32xf32, #tpu.memory_space<hbm>> -> memref<128x32xf32, #tpu.memory_space<hbm>>
      tpu.enqueue_dma source(%arg7 : memref<128x32xf32, #tpu.memory_space<vmem>>) target(%dma_start3A_132 : memref<128x32xf32, #tpu.memory_space<hbm>>) target_semaphore(%run_scoped3A : memref<!tpu.dma_semaphore, #tpu.memory_space<semaphore_mem>>)
      %dma_wait3A_133 = arith.constant 0 : i32
      %dma_wait3A_134 = tpu.memref_slice %arg4[%add3A_103, %dma_wait3A_133] : memref<32768x32xf32, #tpu.memory_space<hbm>> -> memref<128x32xf32, #tpu.memory_space<hbm>>
      %dma_wait3A_135 = arith.constant 0 : i32
      %dma_wait3A_136 = tpu.memref_slice %arg4[%add3A_103, %dma_wait3A_135] : memref<32768x32xf32, #tpu.memory_space<hbm>> -> memref<128x32xf32, #tpu.memory_space<hbm>>
      tpu.wait_dma2 semaphore(%run_scoped3A : memref<!tpu.dma_semaphore, #tpu.memory_space<semaphore_mem>>) src(%arg7 : memref<128x32xf32, #tpu.memory_space<vmem>>) dst(%dma_wait3A_136 : memref<128x32xf32, #tpu.memory_space<hbm>>)
      tpu.yield
    }) : () -> ()
    %dma_start3A_104 = arith.constant 7 : i32
    %dma_start3A_105 = arith.constant 0 : i32
    %dma_start3A_106 = tpu.memref_slice %arg5[%dma_start3A_104, %dma_start3A_105] : memref<8x128xi32, #tpu.memory_space<vmem>> -> memref<1x128xi32, #tpu.memory_space<vmem>>
    %dma_start3A_107 = tpu.memref_squeeze %dma_start3A_106 : memref<1x128xi32, #tpu.memory_space<vmem>> -> memref<128xi32, #tpu.memory_space<vmem>>
    %dma_start3A_108 = arith.constant 0 : i32
    %dma_start3A_109 = arith.constant 0 : i32
    %dma_start3A_110 = tpu.memref_slice %arg2[%dma_start3A_108, %dma_start3A_109] : memref<8192x32xf32, #tpu.memory_space<hbm>> -> memref<8192x32xf32, #tpu.memory_space<hbm>>
    tpu.enqueue_indirect_dma source(%dma_start3A_110 : memref<8192x32xf32, #tpu.memory_space<hbm>>) target(%arg7 : memref<128x32xf32, #tpu.memory_space<vmem>>) offsets(%dma_start3A_107 : memref<128xi32, #tpu.memory_space<vmem>>) semaphore(%arg9 : memref<!tpu.dma_semaphore, #tpu.memory_space<semaphore_mem>>)
    %dma_wait3A_111 = arith.constant 6 : i32
    %dma_wait3A_112 = arith.constant 0 : i32
    %dma_wait3A_113 = tpu.memref_slice %arg5[%dma_wait3A_111, %dma_wait3A_112] : memref<8x128xi32, #tpu.memory_space<vmem>> -> memref<1x128xi32, #tpu.memory_space<vmem>>
    %dma_wait3A_114 = tpu.memref_squeeze %dma_wait3A_113 : memref<1x128xi32, #tpu.memory_space<vmem>> -> memref<128xi32, #tpu.memory_space<vmem>>
    %dma_wait3A_115 = arith.constant 0 : i32
    %dma_wait3A_116 = arith.constant 0 : i32
    %dma_wait3A_117 = tpu.memref_slice %arg2[%dma_wait3A_115, %dma_wait3A_116] : memref<8192x32xf32, #tpu.memory_space<hbm>> -> memref<8192x32xf32, #tpu.memory_space<hbm>>
    tpu.wait_indirect_dma semaphore(%arg8 : memref<!tpu.dma_semaphore, #tpu.memory_space<semaphore_mem>>) src(%dma_wait3A_117 : memref<8192x32xf32, #tpu.memory_space<hbm>>) dst(%arg6 : memref<128x32xf32, #tpu.memory_space<vmem>>)
    %add3A_118 = arith.constant 768 : i32
    %add3A_119 = arith.addi %mul3A_2, %add3A_118 : i32
    "tpu.region"() ({
      %run_scoped3A = tpu.sem_alloc : memref<!tpu.dma_semaphore, #tpu.memory_space<semaphore_mem>>
      %dma_start3A_129 = arith.constant 0 : i32
      %dma_start3A_130 = tpu.memref_slice %arg4[%add3A_119, %dma_start3A_129] : memref<32768x32xf32, #tpu.memory_space<hbm>> -> memref<128x32xf32, #tpu.memory_space<hbm>>
      %dma_start3A_131 = arith.constant 0 : i32
      %dma_start3A_132 = tpu.memref_slice %arg4[%add3A_119, %dma_start3A_131] : memref<32768x32xf32, #tpu.memory_space<hbm>> -> memref<128x32xf32, #tpu.memory_space<hbm>>
      tpu.enqueue_dma source(%arg6 : memref<128x32xf32, #tpu.memory_space<vmem>>) target(%dma_start3A_132 : memref<128x32xf32, #tpu.memory_space<hbm>>) target_semaphore(%run_scoped3A : memref<!tpu.dma_semaphore, #tpu.memory_space<semaphore_mem>>)
      %dma_wait3A_133 = arith.constant 0 : i32
      %dma_wait3A_134 = tpu.memref_slice %arg4[%add3A_119, %dma_wait3A_133] : memref<32768x32xf32, #tpu.memory_space<hbm>> -> memref<128x32xf32, #tpu.memory_space<hbm>>
      %dma_wait3A_135 = arith.constant 0 : i32
      %dma_wait3A_136 = tpu.memref_slice %arg4[%add3A_119, %dma_wait3A_135] : memref<32768x32xf32, #tpu.memory_space<hbm>> -> memref<128x32xf32, #tpu.memory_space<hbm>>
      tpu.wait_dma2 semaphore(%run_scoped3A : memref<!tpu.dma_semaphore, #tpu.memory_space<semaphore_mem>>) src(%arg6 : memref<128x32xf32, #tpu.memory_space<vmem>>) dst(%dma_wait3A_136 : memref<128x32xf32, #tpu.memory_space<hbm>>)
      tpu.yield
    }) : () -> ()
    %dma_wait3A_120 = arith.constant 7 : i32
    %dma_wait3A_121 = arith.constant 0 : i32
    %dma_wait3A_122 = tpu.memref_slice %arg5[%dma_wait3A_120, %dma_wait3A_121] : memref<8x128xi32, #tpu.memory_space<vmem>> -> memref<1x128xi32, #tpu.memory_space<vmem>>
    %dma_wait3A_123 = tpu.memref_squeeze %dma_wait3A_122 : memref<1x128xi32, #tpu.memory_space<vmem>> -> memref<128xi32, #tpu.memory_space<vmem>>
    %dma_wait3A_124 = arith.constant 0 : i32
    %dma_wait3A_125 = arith.constant 0 : i32
    %dma_wait3A_126 = tpu.memref_slice %arg2[%dma_wait3A_124, %dma_wait3A_125] : memref<8192x32xf32, #tpu.memory_space<hbm>> -> memref<8192x32xf32, #tpu.memory_space<hbm>>
    tpu.wait_indirect_dma semaphore(%arg9 : memref<!tpu.dma_semaphore, #tpu.memory_space<semaphore_mem>>) src(%dma_wait3A_126 : memref<8192x32xf32, #tpu.memory_space<hbm>>) dst(%arg7 : memref<128x32xf32, #tpu.memory_space<vmem>>)
    %add3A_127 = arith.constant 896 : i32
    %add3A_128 = arith.addi %mul3A_2, %add3A_127 : i32
    "tpu.region"() ({
      %run_scoped3A = tpu.sem_alloc : memref<!tpu.dma_semaphore, #tpu.memory_space<semaphore_mem>>
      %dma_start3A_129 = arith.constant 0 : i32
      %dma_start3A_130 = tpu.memref_slice %arg4[%add3A_128, %dma_start3A_129] : memref<32768x32xf32, #tpu.memory_space<hbm>> -> memref<128x32xf32, #tpu.memory_space<hbm>>
      %dma_start3A_131 = arith.constant 0 : i32
      %dma_start3A_132 = tpu.memref_slice %arg4[%add3A_128, %dma_start3A_131] : memref<32768x32xf32, #tpu.memory_space<hbm>> -> memref<128x32xf32, #tpu.memory_space<hbm>>
      tpu.enqueue_dma source(%arg7 : memref<128x32xf32, #tpu.memory_space<vmem>>) target(%dma_start3A_132 : memref<128x32xf32, #tpu.memory_space<hbm>>) target_semaphore(%run_scoped3A : memref<!tpu.dma_semaphore, #tpu.memory_space<semaphore_mem>>)
      %dma_wait3A_133 = arith.constant 0 : i32
      %dma_wait3A_134 = tpu.memref_slice %arg4[%add3A_128, %dma_wait3A_133] : memref<32768x32xf32, #tpu.memory_space<hbm>> -> memref<128x32xf32, #tpu.memory_space<hbm>>
      %dma_wait3A_135 = arith.constant 0 : i32
      %dma_wait3A_136 = tpu.memref_slice %arg4[%add3A_128, %dma_wait3A_135] : memref<32768x32xf32, #tpu.memory_space<hbm>> -> memref<128x32xf32, #tpu.memory_space<hbm>>
      tpu.wait_dma2 semaphore(%run_scoped3A : memref<!tpu.dma_semaphore, #tpu.memory_space<semaphore_mem>>) src(%arg7 : memref<128x32xf32, #tpu.memory_space<vmem>>) dst(%dma_wait3A_136 : memref<128x32xf32, #tpu.memory_space<hbm>>)
      tpu.yield
    }) : () -> ()
    return
  }
}

module attributes {stable_mosaic.version = 14 : i64} {
  func.func @_finalize_body(%arg0: memref<8192x128xf32, #tpu.memory_space<vmem>>, %arg1: memref<8192x128xf32, #tpu.memory_space<vmem>>, %arg2: memref<1x8192xi32, #tpu.memory_space<vmem>>, %arg3: memref<8192x128xf32, #tpu.memory_space<vmem>>, %arg4: memref<1x1xf32, #tpu.memory_space<smem>>, %arg5: memref<1x1xf32, #tpu.memory_space<smem>>, %arg6: memref<1x1xf32, #tpu.memory_space<smem>>) attributes {dimension_semantics = [], scalar_prefetch = 0 : i64, scratch_operands = 0 : i64, tpu.core_type = #tpu.core_type<tc>} {
    %get3A = arith.constant 0 : index
    %get3A_0 = arith.constant 0 : index
    %get3A_1 = vector.load %arg0[%get3A, %get3A_0] : memref<8192x128xf32, #tpu.memory_space<vmem>>, vector<8192x128xf32>
    %get3A_2 = arith.constant 0 : index
    %get3A_3 = arith.constant 0 : index
    %get3A_4 = vector.load %arg1[%get3A_2, %get3A_3] : memref<8192x128xf32, #tpu.memory_space<vmem>>, vector<8192x128xf32>
    %sub3A = arith.subf %get3A_4, %get3A_1 : vector<8192x128xf32>
    %mul3A = arith.mulf %sub3A, %sub3A : vector<8192x128xf32>
    %reduce_sum3A = vector.shape_cast %mul3A : vector<8192x128xf32> to vector<1x8192x128xf32>
    %reduce_sum3A_5 = arith.constant dense<0.000000e+00> : vector<1xf32>
    %reduce_sum3A_6 = vector.multi_reduction <add>, %reduce_sum3A, %reduce_sum3A_5 [1, 2] : vector<1x8192x128xf32> to vector<1xf32>
    %reduce_sum3A_7 = vector.shape_cast %reduce_sum3A_6 : vector<1xf32> to vector<1x1x1xf32>
    %reduce_sum3A_8 = vector.extract %reduce_sum3A_7[0, 0, 0] : f32 from vector<1x1x1xf32>
    %div3A = arith.constant 0x49800000 : f32
    %div3A_9 = arith.divf %reduce_sum3A_8, %div3A : f32
    %sub3A_10 = arith.subf %get3A_4, %get3A_1 : vector<8192x128xf32>
    %add3A = arith.addf %get3A_1, %sub3A_10 : vector<8192x128xf32>
    %swap3A = arith.constant 0 : index
    %swap3A_11 = arith.constant 0 : index
    %swap3A_12 = vector.load %arg3[%swap3A, %swap3A_11] : memref<8192x128xf32, #tpu.memory_space<vmem>>, vector<8192x128xf32>
    tpu.vector_store %arg3[%swap3A, %swap3A_11], %add3A {strides = array<i32>} : memref<8192x128xf32, #tpu.memory_space<vmem>>, vector<8192x128xf32>,
    %sub3A_13 = arith.subf %add3A, %get3A_1 : vector<8192x128xf32>
    %mul3A_14 = arith.mulf %sub3A_13, %sub3A_13 : vector<8192x128xf32>
    %reduce_sum3A_15 = vector.shape_cast %mul3A_14 : vector<8192x128xf32> to vector<1x8192x128xf32>
    %reduce_sum3A_16 = arith.constant dense<0.000000e+00> : vector<1xf32>
    %reduce_sum3A_17 = vector.multi_reduction <add>, %reduce_sum3A_15, %reduce_sum3A_16 [1, 2] : vector<1x8192x128xf32> to vector<1xf32>
    %reduce_sum3A_18 = vector.shape_cast %reduce_sum3A_17 : vector<1xf32> to vector<1x1x1xf32>
    %reduce_sum3A_19 = vector.extract %reduce_sum3A_18[0, 0, 0] : f32 from vector<1x1x1xf32>
    %div3A_20 = arith.constant 0x49800000 : f32
    %div3A_21 = arith.divf %reduce_sum3A_19, %div3A_20 : f32
    %mul3A_22 = arith.constant 2.500000e-01 : f32
    %mul3A_23 = arith.mulf %mul3A_22, %div3A_9 : f32
    %add3A_24 = arith.addf %div3A_21, %mul3A_23 : f32
    %swap3A_25 = arith.constant 0 : index
    %swap3A_26 = arith.constant 0 : index
    %swap3A_27 = memref.load %arg4[%swap3A_25, %swap3A_26] : memref<1x1xf32, #tpu.memory_space<smem>>
    memref.store %add3A_24, %arg4[%swap3A_25, %swap3A_26] : memref<1x1xf32, #tpu.memory_space<smem>>
    %get3A_28 = arith.constant 0 : index
    %get3A_29 = arith.constant 0 : index
    %get3A_30 = vector.load %arg2[%get3A_28, %get3A_29] : memref<1x8192xi32, #tpu.memory_space<vmem>>, vector<1x8192xi32>
    %convert_element_type3A = arith.sitofp %get3A_30 : vector<1x8192xi32> to vector<1x8192xf32>
    %div3A_31 = arith.constant 3.276800e+04 : f32
    %div3A_32 = vector.broadcast %div3A_31 : f32 to vector<1x8192xf32>
    %div3A_33 = arith.divf %convert_element_type3A, %div3A_32 : vector<1x8192xf32>
    %add3A_34 = arith.constant 1.000000e-10 : f32
    %add3A_35 = vector.broadcast %add3A_34 : f32 to vector<1x8192xf32>
    %add3A_36 = arith.addf %div3A_33, %add3A_35 : vector<1x8192xf32>
    %log3A = math.log %add3A_36 : vector<1x8192xf32>
    %mul3A_37 = arith.mulf %div3A_33, %log3A : vector<1x8192xf32>
    %reduce_sum3A_38 = vector.shape_cast %mul3A_37 : vector<1x8192xf32> to vector<1x1x8192xf32>
    %reduce_sum3A_39 = arith.constant dense<0.000000e+00> : vector<1xf32>
    %reduce_sum3A_40 = vector.multi_reduction <add>, %reduce_sum3A_38, %reduce_sum3A_39 [1, 2] : vector<1x1x8192xf32> to vector<1xf32>
    %reduce_sum3A_41 = vector.shape_cast %reduce_sum3A_40 : vector<1xf32> to vector<1x1x1xf32>
    %reduce_sum3A_42 = vector.extract %reduce_sum3A_41[0, 0, 0] : f32 from vector<1x1x1xf32>
    %neg3A = arith.constant 0.000000e+00 : f32
    %neg3A_43 = arith.subf %neg3A, %reduce_sum3A_42 : f32
    %exp3A = math.exp %neg3A_43 : f32
    %swap3A_44 = arith.constant 0 : index
    %swap3A_45 = arith.constant 0 : index
    %swap3A_46 = memref.load %arg5[%swap3A_44, %swap3A_45] : memref<1x1xf32, #tpu.memory_space<smem>>
    memref.store %exp3A, %arg5[%swap3A_44, %swap3A_45] : memref<1x1xf32, #tpu.memory_space<smem>>
    %gt3A = arith.constant 0.000000e+00 : f32
    %gt3A_47 = vector.broadcast %gt3A : f32 to vector<1x8192xf32>
    %gt3A_48 = arith.cmpf ogt, %div3A_33, %gt3A_47 : vector<1x8192xf32>
    %convert_element_type3A_49 = arith.extui %gt3A_48 : vector<1x8192xi1> to vector<1x8192xi32>
    %convert_element_type3A_50 = arith.sitofp %convert_element_type3A_49 : vector<1x8192xi32> to vector<1x8192xf32>
    %reduce_sum3A_51 = vector.shape_cast %convert_element_type3A_50 : vector<1x8192xf32> to vector<1x1x8192xf32>
    %reduce_sum3A_52 = arith.constant dense<0.000000e+00> : vector<1xf32>
    %reduce_sum3A_53 = vector.multi_reduction <add>, %reduce_sum3A_51, %reduce_sum3A_52 [1, 2] : vector<1x1x8192xf32> to vector<1xf32>
    %reduce_sum3A_54 = vector.shape_cast %reduce_sum3A_53 : vector<1xf32> to vector<1x1x1xf32>
    %reduce_sum3A_55 = vector.extract %reduce_sum3A_54[0, 0, 0] : f32 from vector<1x1x1xf32>
    %div3A_56 = arith.constant 8.192000e+03 : f32
    %div3A_57 = arith.divf %reduce_sum3A_55, %div3A_56 : f32
    %swap3A_58 = arith.constant 0 : index
    %swap3A_59 = arith.constant 0 : index
    %swap3A_60 = memref.load %arg6[%swap3A_58, %swap3A_59] : memref<1x1xf32, #tpu.memory_space<smem>>
    memref.store %div3A_57, %arg6[%swap3A_58, %swap3A_59] : memref<1x1xf32, #tpu.memory_space<smem>>
    return
  }
}

</mosaic_0001>

<sc_bundles>
// kernel: kernel.4.cloned.1.call-start
scs
__scs_entry_jumppad:
0x0: {  	(pc) =	sbr.rel $0x88, $3  }
0x1: {  	(tag) =	ssettag $0x0;
	lr =	simm.s32 $0x1  }
0x2: {  	[smem:$0x3F9F] =	sst lr;
	_ =	strace $0xD0000000  }
0x3: {  	_ = 	snop  }
0x4: {  	_ = 	snop  }
0x5: {  	_ = 	snop  }
0x6: {  	_ = 	snop  }
0x7: {  	_ = 	snop  }
__scs_overlays_trampoline_lowered:
0x8: {  	[smem:$0x3FAE] =	sst s0  }
0x9: {  	[smem:$0x3FAF] =	sst s1  }
0xa: {  	[smem:$0x3FB0] =	sst s2  }
0xb: {  	[smem:$0x3FB1] =	sst s3  }
0xc: {  	[smem:$0x3FB2] =	sst s4  }
0xd: {  	[smem:$0x3FB3] =	sst s5  }
0xe: {  	[smem:$0x3FB4] =	sst s6  }
0xf: {  	[smem:$0x3FB5] =	sst s7  }
0x10: {  	[smem:$0x3FB6] =	sst s8  }
0x11: {  	[smem:$0x3FB7] =	sst s9;
	s0 =	simm.s32 @!p0 $0x0  }
0x12: {  	s1 =	sld [smem:$0x3F9D];
	s0 =	simm.s32 @p0 $0x1  }
0x13: {  	[smem:$0x3FB8] =	sst s0;
	s0 =	simm.s32 @!p1 $0x0  }
0x14: {  	s2 =	sld [smem:$0x3F9C];
	s0 =	simm.s32 @p1 $0x1  }
0x15: {  	[smem:$0x3FB9] =	sst s0;
	s0 =	simm.s32 @!p2 $0x0  }
0x16: {  	s3 =	sld [smem:$0x3FDB];
	s0 =	simm.s32 @p2 $0x1  }
0x17: {  	s4 =	simm.s32 $0x1BF5;
	[smem:$0x3FBB] =	sst s0  }
0x18: {  	s0 =	sld [smem:$0x3F9E];
	_ =	swait.ge [sflag:s4], $0x0  }
0x19: {  	s7 =	sld [smem:$0x3F9F]  }
0x1a: {  	s8 =	sadd.s32 $0xFFFFE003, lr  }
0x1b: {  	s9 =	sadd.s32 $0xFFFFFEF7, lr;
	s5 =	simm.s32 $0xFFFFFFFF;
	p2 =	slt.u32 s8, $0xFFFFF086  }
0x1c: {  	p1 =	slt.u32 s9, $0xF7A;
	s5 =	simm.s32 @!p2 $0x0  }
0x1d: {  	s5 =	simm.s32 @p1 $0x1;
	p0 =	seq.s32 s7, s2  }
0x1e: {  	s7 =	smul.u32 @!p0 $0xF7A, s2;
	p2 =	seq.s32 @!p0 s5, $0x0  }
0x1f: {  	s9 =	smul.u32 $0xF7A, s1;
	s8 =	simm.s32 @!p0 $0x1BF5;
	p2 =	por !p2, p0  }
0x20: {  	[sflag:s8] =	ssyncset.s32 @!p0 $0xFFFFF086;
	s6 =	sadd.s32 @!p0 s3, s7;
	s7 =	simm.s32 @!p0 $0x108  }
0x21: {  	s3 =	sadd.s32 s3, s9;
	s6 =	sadd.s32 @!p0 $0x88, s6;
	s7 =	simm.s32 @p2 $0x1082  }
0x22: {  	[simem:s7], [sflag:s8] =	dma.local @!p0 [hbm:s6], $0xF7A  }
0x23: {  	s9 =	sor.u32 $0xD0000000, s2;
	s6 =	simm.s32 $0x108;
	_ =	swait.ge @!p0 [sflag:s8], $0x0  }
0x24: {  	s3 =	sadd.s32 $0x88, s3;
	s6 =	simm.s32 @!p1 $0x1082;
	[sflag:s4] =	ssyncset.s32 $0xFFFFF086  }
0x25: {  	[simem:s6], [sflag:s4] =	dma.local [hbm:s3], $0xF7A  }
0x26: {  	[smem:$0x3F9F] =	sst s1;
	(tag) =	ssettag s2;
	_ =	strace s9  }
0x27: {  	s1 =	sld [smem:$0x3FAF]  }
0x28: {  	s2 =	sld [smem:$0x3FB0]  }
0x29: {  	s4 =	sld [smem:$0x3FB2]  }
0x2a: {  	p0 =	seq.s32 s5, $0x0;
	s5 =	sld [smem:$0x3FB3]  }
0x2b: {  	s6 =	sld [smem:$0x3FB4]  }
0x2c: {  	s7 =	sld [smem:$0x3FB5]  }
0x2d: {  	s3 =	simm.s32 $0x108;
	s8 =	sld [smem:$0x3FB6]  }
0x2e: {  	s3 =	simm.s32 @!p0 $0x1082;
	s9 =	sld [smem:$0x3FB7]  }
0x2f: {  	lr =	sadd.s32 s0, s3;
	s0 =	sld [smem:$0x3FAE]  }
0x30: {  	s3 =	sld [smem:$0x3FB1]  }
0x31: {  	[smem:$0x3FBA] =	sst s10  }
0x32: {  	s10 =	sld [smem:$0x3FB8];
	_ =	sdelay $0x3  }
0x33: {  	p0 =	seq.s32 s10, $0x1;
	s10 =	sld [smem:$0x3FBA];
	_ =	sdelay $0x3  }
0x34: {  	[smem:$0x3FBA] =	sst s10  }
0x35: {  	s10 =	sld [smem:$0x3FB9];
	_ =	sdelay $0x3  }
0x36: {  	p1 =	seq.s32 s10, $0x1;
	s10 =	sld [smem:$0x3FBA];
	_ =	sdelay $0x3  }
0x37: {  	[smem:$0x3FBA] =	sst s10  }
0x38: {  	s10 =	sld [smem:$0x3FBB]  }
0x39: {  	_ = 	snop;
	(pc) =	sbr.ind lr, $3  }
0x3a: {  	_ = 	snop  }
0x3b: {  	_ = 	snop  }
0x3c: {  	p2 =	seq.s32 s10, $0x1;
	s10 =	sld [smem:$0x3FBA]  }
0x3d: {  	_ =	shalt  }
0x3e: {  	_ =	shalt  }
0x3f: {  	_ =	shalt  }
0x40: {  	_ =	shalt  }
0x41: {  	_ =	shalt  }
0x42: {  	_ =	shalt  }
0x43: {  	_ =	shalt  }
0x44: {  	_ =	shalt  }
0x45: {  	_ =	shalt  }
0x46: {  	_ =	shalt  }
0x47: {  	_ =	shalt  }
0x48: {  	_ =	shalt  }
0x49: {  	_ =	shalt  }
0x4a: {  	_ =	shalt  }
0x4b: {  	_ =	shalt  }
0x4c: {  	_ =	shalt  }
0x4d: {  	_ =	shalt  }
0x4e: {  	_ =	shalt  }
0x4f: {  	_ =	shalt  }
0x50: {  	_ =	shalt  }
0x51: {  	_ =	shalt  }
0x52: {  	_ =	shalt  }
0x53: {  	_ =	shalt  }
0x54: {  	_ =	shalt  }
0x55: {  	_ =	shalt  }
0x56: {  	_ =	shalt  }
0x57: {  	_ =	shalt  }
0x58: {  	_ =	shalt  }
0x59: {  	_ =	shalt  }
0x5a: {  	_ =	shalt  }
0x5b: {  	_ =	shalt  }
0x5c: {  	_ =	shalt  }
0x5d: {  	_ =	shalt  }
0x5e: {  	_ =	shalt  }
0x5f: {  	_ =	shalt  }
0x60: {  	_ =	shalt  }
0x61: {  	_ =	shalt  }
0x62: {  	_ =	shalt  }
0x63: {  	_ =	shalt  }
0x64: {  	_ =	shalt  }
0x65: {  	_ =	shalt  }
0x66: {  	_ =	shalt  }
0x67: {  	_ =	shalt  }
0x68: {  	_ =	shalt  }
0x69: {  	_ =	shalt  }
0x6a: {  	_ =	shalt  }
0x6b: {  	_ =	shalt  }
0x6c: {  	_ =	shalt  }
0x6d: {  	_ =	shalt  }
0x6e: {  	_ =	shalt  }
0x6f: {  	_ =	shalt  }
0x70: {  	_ =	shalt  }
0x71: {  	_ =	shalt  }
0x72: {  	_ =	shalt  }
0x73: {  	_ =	shalt  }
0x74: {  	_ =	shalt  }
0x75: {  	_ =	shalt  }
0x76: {  	_ =	shalt  }
0x77: {  	_ =	shalt  }
0x78: {  	_ =	shalt  }
0x79: {  	_ =	shalt  }
0x7a: {  	_ =	shalt  }
0x7b: {  	_ =	shalt  }
0x7c: {  	_ =	shalt  }
0x7d: {  	_ =	shalt  }
0x7e: {  	_ =	shalt  }
0x7f: {  	_ =	shalt  }
0x80: {  	_ =	shalt  }
0x81: {  	_ =	shalt  }
0x82: {  	_ =	shalt  }
0x83: {  	_ =	shalt  }
0x84: {  	_ =	shalt  }
0x85: {  	_ =	shalt  }
0x86: {  	_ =	shalt  }
0x87: {  	_ =	shalt  }
.Lfunc_end0:
.L_simem_size_0:
called_computation.1_lowered:
.L_overlay_start_0:
0x88: {  	s2 =	sld [smem:$0x3FD9]  }
0x89: {  	s3 =	sld [smem:$0x3FFE];
	_ =	sdelay $0x1  }
0x8a: {  	s1 =	srdreg.scid  }
0x8b: {  	s0 =	sand.u32 $0x1, s1  }
0x8c: {  	s15 =	sshll.u32 s0, $0xA;
	s2 =	sadd.s32 s3, s2  }
0x8d: {  	s2 =	sadd.s32 s2, s15  }
0x8e: {  	[smem:$0x3FC6] =	sst s2  }
0x8f: {  	_ = 	snop  }
0x90: {  	s2 =	sld [smem:$0x3FD0];
	_ =	sdelay $0x2  }
0x91: {  	s4 =	simm.s32 $0xB;
	s16 =	simm.s32 $0x10  }
0x92: {  	[smem:s16], [sflag:s4] =	dma.local [hbm:s2], $0x1  }
0x93: {  	_ =	swait.eq [sflag:s4], $0x1  }
0x94: {  	[sflag:s4] =	ssyncset.done $0x0  }
0x95: {  	s17 =	sld [smem:$0x10];
	[sflag:s4] =	ssyncadd.s32 $0xFFFFFFFF  }
0x96: {  	s18 =	sld [smem:$0x11];
	(tm) =	ssettm $0x1  }
0x97: {  	s19 =	sld [smem:$0x3FFB];
	_ =	sdelay $0x3  }
0x98: {  	_ =	strace s19  }
0x99: {  	s2 =	sld [smem:$0x3FFC];
	_ =	sdelay $0x3  }
0x9a: {  	_ =	strace s2  }
0x9b: {  	s2 =	sld [smem:$0x3FFD];
	_ =	sdelay $0x3  }
0x9c: {  	_ =	strace s2  }
0x9d: {  	_ =	strace $0x8FFFFFFF  }
0x9e: {  	s20 =	sld [smem:$0x3FDB];
	_ =	sdelay $0x1  }
0x9f: {  	s5 =	simm.s32 $_scs_section_size  }
0xa0: {  	s6 =	simm.s32 $_size__tile_overlayer_lowered;
	s7 =	simm.s32 $_tile_overlayer_lowered  }
0xa1: {  	s8 =	simm.s32 $0x1BFF;
	s21 =	sshll.u32 s7, $0x1;
	s5 =	sadd.s32 s5, s20  }
0xa2: {  	s22 =	simm.s32 $0x0;
	s6 =	sshll.u32 s6, $0x1;
	s7 =	sadd.s32 s21, s5  }
0xa3: {  	[timem:s22], [sflag:s8] =	dma.local [hbm:s7], s6  }
0xa4: {  	_ =	swait.ge [sflag:s8], s6  }
0xa5: {  	s6 =	ssub.s32 $0x0, s6;
	[sflag:s8] =	ssyncset.done $0x0  }
0xa6: {  	[sflag:s8] =	ssyncadd.s32 s6;
	_ =	sdelay $0x1  }
0xa7: {  	s23 =	simm.s32 $0x1B8B  }
0xa8: {  	_ =	swait.ge [sflag:s23], $0x1  }
0xa9: {  	[sflag:s23] =	ssyncset.done $0x0  }
0xaa: {  	[sflag:s23] =	ssyncadd.s32 $0xFFFFFFFF  }
0xab: {  	s6 =	sld [smem:$0x0]  }
0xac: {  	s7 =	sand.u32 $0xFFFFFFFE, s1  }
0xad: {  	p0 =	sne.s32 s1, s7  }
0xae: {  	s7 =	sshll.u32 @p0 s7, $0xE  }
0xaf: {  	s7 =	sadd.s32 @p0 $0x11B8D, s7;
	s8 =	sshll.u32 @p0 s6, $0x11  }
0xb0: {  	s7 =	sor.u32 @p0 s8, s7  }
0xb1: {  	[sflag:s7] =	ssyncadd.remote.s32 @p0 $0x1;
	_ =	sdelay $0x1  }
0xb2: {  	s7 =	simm.s32 @p0 $0x1B8D  }
0xb3: {  	_ =	swait.eq @p0 [sflag:s7], $0x1  }
0xb4: {  	[sflag:s7] =	ssyncadd.s32 @p0 $0xFFFFFFFF  }
0xb5: {  	s8 =	sshll.u32 @!p0 s1, $0xE  }
0xb6: {  	s8 =	sor.u32 @!p0 $0x4000, s8;
	s7 =	simm.s32 @!p0 $0x1B8D  }
0xb7: {  	s6 =	sshll.u32 @!p0 s6, $0x11;
	s8 =	sadd.s32 @!p0 $0x11B8D, s8;
	_ =	swait.eq @!p0 [sflag:s7], $0x1  }
0xb8: {  	s6 =	sor.u32 @!p0 s6, s8;
	[sflag:s7] =	ssyncadd.s32 @!p0 $0xFFFFFFFF  }
0xb9: {  	s25 =	simm.s32 $0x1B8E;
	s24 =	sld [smem:$0x3FFE];
	[sflag:s6] =	ssyncadd.remote.s32 @!p0 $0x1  }
0xba: {  	s26 =	simm.s32 $execute0_lowered;
	[smem:$0x3FD2] =	sst s25  }
0xbb: {  	s7 =	sshll.u32 s26, $0x1;
	_ =	strace $0x80000049;
	[dreg:$0x1] =	wrdreg $0xFFFFFFFF  }
0xbc: {  	s28 =	simm.s32 $_size_execute0_lowered;
	s5 =	sadd.s32 s5, s7;
	[dreg:$0x0] =	wrdreg $0x0  }
0xbd: {  	s7 =	sshll.u32 s28, $0x1;
	[dreg:$0x2] =	wrdreg s5  }
0xbe: {  	[dreg:$0x3] =	wrdreg s7  }
0xbf: {  	[dreg:$0x4] =	wrdreg $0xC0  }
0xc0: {  	_ =	task [dreg:s22], $0x5FFFF  }
0xc1: {  	[dreg:$0x1] =	wrdreg $0xFFFFFFFF  }
0xc2: {  	[dreg:$0x0] =	wrdreg $0x60  }
0xc3: {  	[dreg:$0x2] =	wrdreg s24  }
0xc4: {  	[dreg:$0x3] =	wrdreg s18  }
0xc5: {  	[dreg:$0x4] =	wrdreg s17  }
0xc6: {  	[dreg:$0x5] =	wrdreg $0xA  }
0xc7: {  	_ =	task.clear_ibuf [dreg:s22], $0x6FFFF;
	_ =	strace $0x90000049  }
0xc8: {  	s29 =	simm.s32 $0xA;
	_ =	strace $0x8000004B  }
0xc9: {  	_ =	swait.ge [sflag:s29], $0x1  }
0xca: {  	[sflag:s29] =	ssyncadd.s32 $0xFFFFFFFF  }
0xcb: {  	_ =	strace $0x9000004B  }
0xcc: {  	_ =	sfence  }
0xcd: {  	s30 =	sld [smem:$0x0];
	_ =	sdelay $0x2  }
0xce: {  	s31 =	sshll.u32 s1, $0xD;
	s1 =	sshrl.u32 s1, $0x2  }
0xcf: {  	s4 =	sand.u32 $0x4000, s31;
	s1 =	sadd.s32 s1, s30  }
0xd0: {  	s0 =	sor.u32 s4, s0;
	s1 =	sshll.u32 s1, $0x11  }
0xd1: {  	s0 =	sor.u32 s1, s0  }
0xd2: {  	s0 =	sadd.s32 $0x8F2B, s0  }
0xd3: {  	[sflag:s0] =	ssyncadd.remote.s32 $0x1  }
0xd4: {  	_ =	sfence.sel $0xFFFF  }
0xd5: {  	[dreg:$0x0] =	wrdreg $0xFFFFFFFF;
	(pc) =	sbr.abs _section_cstart, $3  }
0xd6: {  	[dreg:$0x1] =	wrdreg $0xFFFFFFFF  }
0xd7: {  	_ =	task.clear_ibuf [dreg:s22], $0x2FFFF;
	_ =	strace $0x9FFFFFFF  }
0xd8: {  	(tm) =	ssettm $0x7FFFFFFF  }
0xd9: {  	_ =	shalt  }
tec
execute0_lowered:
.L_overlay_start_1:
0x0: {  	(tag) =	ssettag $0x1  }
0x1: {  	s1 =	rddreg [dreg:$0x0];
	s2 =	srdreg.scid  }
0x2: {  	s4 =	rddreg [dreg:$0x1];
	s0 =	stileid.u32;
	s24 =	sand.u32 $0x1, s2  }
0x3: {  	s10 =	rddreg [dreg:$0x2];
	s5 =	sshll.u32 s0, $0xB;
	s6 =	sshll.u32 s24, $0xA  }
0x4: {  	s3 =	simm.s32 $0x0;
	s2 =	rddreg [dreg:$0x3];
	s11 =	sor.u32 s6, s5  }
0x5: {  	[smem:$0x7FF] =	sst s3;
	s5 =	sshrl.u32 s11, $0x3  }
0x6: {  	_ =	strace $0x8000004A;
	s5 =	sadd.s32 s4, s5;
	s4 =	simm.s32 $0x3  }
0x7: {  	[tilespmem:s3], [sflag:$0x3] =	stream.linear.gather [hbm4b:s5+s3], $0x400, $0x38;
	[tilespmem:$0x2400] =	vst v63  }
0x8: {  	_ =	swait.ge [sflag:s4], $0x400  }
0x9: {  	[sflag:s4] =	ssyncset.done $0x0  }
0xa: {  	s7 =	simm.s32 $0x400;
	s6 =	simm.s32 $0x80;
	[sflag:s4] =	ssyncadd.s32 $0xFFFFFC00  }
0xb: {  	[tilespmem:s7], [sflag:$0x1] =	stream.indirect.gather [hbm4b:s1+s6], $0x20, s3, s6, $0xb8;
	[tilespmem:$0x2400] =	vst v63  }
0xc: {  	s8 =	simm.s32 $0x1400;
	s9 =	simm.s32 $0x1  }
0xd: {  	[tilespmem:s8], [sflag:$0x2] =	stream.indirect.gather [hbm4b:s1+s6], $0x20, s6, s6, $0xb8;
	[tilespmem:$0x2400] =	vst v63  }
0xe: {  	_ =	swait.ge [sflag:s9], $0x1000  }
0xf: {  	s11 =	sshll.u32 s11, $0x2;
	[sflag:s9] =	ssyncset.done $0x0  }
0x10: {  	s10 =	sadd.s32 s10, s11;
	[sflag:s9] =	ssyncadd.s32 $0xFFFFF000  }
0x11: {  	[hbm4b:s10+s3] =	stream.linear.scatter [tilespmem:s7], [sflag:$0x3], $0x1000, $0x38;
	[tilespmem:$0x2400] =	vst v63  }
0x12: {  	_ =	swait.ge [sflag:s4], $0x1000  }
0x13: {  	[sflag:s4] =	ssyncset.done $0x0  }
0x14: {  	s12 =	simm.s32 $0x2;
	s11 =	simm.s32 $0x100;
	[sflag:s4] =	ssyncadd.s32 $0xFFFFF000  }
0x15: {  	[tilespmem:s7], [sflag:$0x1] =	stream.indirect.gather [hbm4b:s1+s6], $0x20, s11, s6, $0xb8;
	[tilespmem:$0x2400] =	vst v63  }
0x16: {  	_ =	swait.ge [sflag:s12], $0x1000  }
0x17: {  	[sflag:s12] =	ssyncset.done $0x0  }
0x18: {  	s13 =	sadd.s32 $0x200, s10;
	[sflag:s12] =	ssyncadd.s32 $0xFFFFF000  }
0x19: {  	[hbm4b:s13+s3] =	stream.linear.scatter [tilespmem:s8], [sflag:$0x3], $0x1000, $0x38;
	[tilespmem:$0x2400] =	vst v63  }
0x1a: {  	_ =	swait.ge [sflag:s4], $0x1000  }
0x1b: {  	[sflag:s4] =	ssyncset.done $0x0  }
0x1c: {  	s14 =	simm.s32 $0x180;
	[sflag:s4] =	ssyncadd.s32 $0xFFFFF000  }
0x1d: {  	[tilespmem:s8], [sflag:$0x2] =	stream.indirect.gather [hbm4b:s1+s6], $0x20, s14, s6, $0xb8;
	[tilespmem:$0x2400] =	vst v63  }
0x1e: {  	_ =	swait.ge [sflag:s9], $0x1000  }
0x1f: {  	[sflag:s9] =	ssyncset.done $0x0  }
0x20: {  	s15 =	sadd.s32 $0x400, s10;
	[sflag:s9] =	ssyncadd.s32 $0xFFFFF000  }
0x21: {  	[hbm4b:s15+s3] =	stream.linear.scatter [tilespmem:s7], [sflag:$0x3], $0x1000, $0x38;
	[tilespmem:$0x2400] =	vst v63  }
0x22: {  	_ =	swait.ge [sflag:s4], $0x1000  }
0x23: {  	[sflag:s4] =	ssyncset.done $0x0  }
0x24: {  	s16 =	simm.s32 $0x200;
	[sflag:s4] =	ssyncadd.s32 $0xFFFFF000  }
0x25: {  	[tilespmem:s7], [sflag:$0x1] =	stream.indirect.gather [hbm4b:s1+s6], $0x20, s16, s6, $0xb8;
	[tilespmem:$0x2400] =	vst v63  }
0x26: {  	_ =	swait.ge [sflag:s12], $0x1000  }
0x27: {  	[sflag:s12] =	ssyncset.done $0x0  }
0x28: {  	s17 =	sadd.s32 $0x600, s10;
	[sflag:s12] =	ssyncadd.s32 $0xFFFFF000  }
0x29: {  	[hbm4b:s17+s3] =	stream.linear.scatter [tilespmem:s8], [sflag:$0x3], $0x1000, $0x38;
	[tilespmem:$0x2400] =	vst v63  }
0x2a: {  	_ =	swait.ge [sflag:s4], $0x1000  }
0x2b: {  	[sflag:s4] =	ssyncset.done $0x0  }
0x2c: {  	s18 =	simm.s32 $0x280;
	[sflag:s4] =	ssyncadd.s32 $0xFFFFF000  }
0x2d: {  	[tilespmem:s8], [sflag:$0x2] =	stream.indirect.gather [hbm4b:s1+s6], $0x20, s18, s6, $0xb8;
	[tilespmem:$0x2400] =	vst v63  }
0x2e: {  	_ =	swait.ge [sflag:s9], $0x1000  }
0x2f: {  	[sflag:s9] =	ssyncset.done $0x0  }
0x30: {  	s19 =	sadd.s32 $0x800, s10;
	[sflag:s9] =	ssyncadd.s32 $0xFFFFF000  }
0x31: {  	[hbm4b:s19+s3] =	stream.linear.scatter [tilespmem:s7], [sflag:$0x3], $0x1000, $0x38;
	[tilespmem:$0x2400] =	vst v63  }
0x32: {  	_ =	swait.ge [sflag:s4], $0x1000  }
0x33: {  	[sflag:s4] =	ssyncset.done $0x0  }
0x34: {  	s20 =	simm.s32 $0x300;
	[sflag:s4] =	ssyncadd.s32 $0xFFFFF000  }
0x35: {  	[tilespmem:s7], [sflag:$0x1] =	stream.indirect.gather [hbm4b:s1+s6], $0x20, s20, s6, $0xb8;
	[tilespmem:$0x2400] =	vst v63  }
0x36: {  	_ =	swait.ge [sflag:s12], $0x1000  }
0x37: {  	[sflag:s12] =	ssyncset.done $0x0  }
0x38: {  	s21 =	sadd.s32 $0xA00, s10;
	[sflag:s12] =	ssyncadd.s32 $0xFFFFF000  }
0x39: {  	[hbm4b:s21+s3] =	stream.linear.scatter [tilespmem:s8], [sflag:$0x3], $0x1000, $0x38;
	[tilespmem:$0x2400] =	vst v63  }
0x3a: {  	_ =	swait.ge [sflag:s4], $0x1000  }
0x3b: {  	[sflag:s4] =	ssyncset.done $0x0  }
0x3c: {  	s22 =	simm.s32 $0x380;
	[sflag:s4] =	ssyncadd.s32 $0xFFFFF000  }
0x3d: {  	[tilespmem:s8], [sflag:$0x2] =	stream.indirect.gather [hbm4b:s1+s6], $0x20, s22, s6, $0xb8;
	[tilespmem:$0x2400] =	vst v63  }
0x3e: {  	_ =	swait.ge [sflag:s9], $0x1000  }
0x3f: {  	[sflag:s9] =	ssyncset.done $0x0  }
0x40: {  	s24 =	ssub.s32 $0x2, s24;
	s23 =	sadd.s32 $0xC00, s10;
	[sflag:s9] =	ssyncadd.s32 $0xFFFFF000  }
0x41: {  	[hbm4b:s23+s3] =	stream.linear.scatter [tilespmem:s7], [sflag:$0x3], $0x1000, $0x38;
	[tilespmem:$0x2400] =	vst v63  }
0x42: {  	s25 =	sshrl.u32 s24, $0x1;
	_ =	swait.ge [sflag:s4], $0x1000  }
0x43: {  	s25 =	ssub.s32 s24, s25;
	[sflag:s4] =	ssyncset.done $0x0  }
0x44: {  	s25 =	smax.u32 s25, $0x1;
	[sflag:s4] =	ssyncadd.s32 $0xFFFFF000  }
0x45: {  	p0 =	sne.s32 s25, $0x1;
	_ =	swait.ge [sflag:s12], $0x1000  }
.Ltmp0:
0x46: {  	[sflag:s12] =	ssyncset.done $0x0;
	(pc) =	sbr.rel @!p0 .LBB2_2-.Ltmp0, $4  }
0x47: {  	s24 =	sadd.s32 $0xE00, s10;
	[sflag:s12] =	ssyncadd.s32 $0xFFFFF000  }
0x48: {  	[hbm4b:s24+s3] =	stream.linear.scatter [tilespmem:s8], [sflag:$0x3], $0x1000, $0x38;
	[tilespmem:$0x2400] =	vst v63  }
0x49: {  	_ =	swait.ge [sflag:s4], $0x1000  }
0x4a: {  	s25 =	sadd.s32 $0xFFFFFFFF, s25;
	[sflag:s4] =	ssyncset.done $0x0  }
.LBB2_1:
0x4b: {  	p0 =	sne.s32 s25, $0x1;
	s25 =	sadd.s32 $0xFFFFFFFF, s25;
	[sflag:s4] =	ssyncadd.s32 $0xFFFFF000  }
0x4c: {  	[tilespmem:s3], [sflag:$0x3] =	stream.linear.gather [hbm4b:s5+s3], $0x400, $0x38;
	[tilespmem:$0x2400] =	vst v63  }
0x4d: {  	_ =	swait.ge [sflag:s4], $0x400  }
0x4e: {  	[sflag:s4] =	ssyncset.done $0x0  }
0x4f: {  	[sflag:s4] =	ssyncadd.s32 $0xFFFFFC00  }
0x50: {  	[tilespmem:s7], [sflag:$0x1] =	stream.indirect.gather [hbm4b:s1+s6], $0x20, s3, s6, $0xb8;
	[tilespmem:$0x2400] =	vst v63  }
0x51: {  	_ = 	snop  }
0x52: {  	[tilespmem:s8], [sflag:$0x2] =	stream.indirect.gather [hbm4b:s1+s6], $0x20, s6, s6, $0xb8;
	[tilespmem:$0x2400] =	vst v63  }
0x53: {  	_ =	swait.ge [sflag:s9], $0x1000  }
0x54: {  	[sflag:s9] =	ssyncset.done $0x0  }
0x55: {  	[sflag:s9] =	ssyncadd.s32 $0xFFFFF000  }
0x56: {  	[hbm4b:s10+s3] =	stream.linear.scatter [tilespmem:s7], [sflag:$0x3], $0x1000, $0x38;
	[tilespmem:$0x2400] =	vst v63  }
0x57: {  	_ =	swait.ge [sflag:s4], $0x1000  }
0x58: {  	[sflag:s4] =	ssyncset.done $0x0  }
0x59: {  	[sflag:s4] =	ssyncadd.s32 $0xFFFFF000  }
0x5a: {  	[tilespmem:s7], [sflag:$0x1] =	stream.indirect.gather [hbm4b:s1+s6], $0x20, s11, s6, $0xb8;
	[tilespmem:$0x2400] =	vst v63  }
0x5b: {  	_ =	swait.ge [sflag:s12], $0x1000  }
0x5c: {  	[sflag:s12] =	ssyncset.done $0x0  }
0x5d: {  	[sflag:s12] =	ssyncadd.s32 $0xFFFFF000  }
0x5e: {  	[hbm4b:s13+s3] =	stream.linear.scatter [tilespmem:s8], [sflag:$0x3], $0x1000, $0x38;
	[tilespmem:$0x2400] =	vst v63  }
0x5f: {  	_ =	swait.ge [sflag:s4], $0x1000  }
0x60: {  	[sflag:s4] =	ssyncset.done $0x0  }
0x61: {  	[sflag:s4] =	ssyncadd.s32 $0xFFFFF000  }
0x62: {  	[tilespmem:s8], [sflag:$0x2] =	stream.indirect.gather [hbm4b:s1+s6], $0x20, s14, s6, $0xb8;
	[tilespmem:$0x2400] =	vst v63  }
0x63: {  	_ =	swait.ge [sflag:s9], $0x1000  }
0x64: {  	[sflag:s9] =	ssyncset.done $0x0  }
0x65: {  	[sflag:s9] =	ssyncadd.s32 $0xFFFFF000  }
0x66: {  	[hbm4b:s15+s3] =	stream.linear.scatter [tilespmem:s7], [sflag:$0x3], $0x1000, $0x38;
	[tilespmem:$0x2400] =	vst v63  }
0x67: {  	_ =	swait.ge [sflag:s4], $0x1000  }
0x68: {  	[sflag:s4] =	ssyncset.done $0x0  }
0x69: {  	[sflag:s4] =	ssyncadd.s32 $0xFFFFF000  }
0x6a: {  	[tilespmem:s7], [sflag:$0x1] =	stream.indirect.gather [hbm4b:s1+s6], $0x20, s16, s6, $0xb8;
	[tilespmem:$0x2400] =	vst v63  }
0x6b: {  	_ =	swait.ge [sflag:s12], $0x1000  }
0x6c: {  	[sflag:s12] =	ssyncset.done $0x0  }
0x6d: {  	[sflag:s12] =	ssyncadd.s32 $0xFFFFF000  }
0x6e: {  	[hbm4b:s17+s3] =	stream.linear.scatter [tilespmem:s8], [sflag:$0x3], $0x1000, $0x38;
	[tilespmem:$0x2400] =	vst v63  }
0x6f: {  	_ =	swait.ge [sflag:s4], $0x1000  }
0x70: {  	[sflag:s4] =	ssyncset.done $0x0  }
0x71: {  	[sflag:s4] =	ssyncadd.s32 $0xFFFFF000  }
0x72: {  	[tilespmem:s8], [sflag:$0x2] =	stream.indirect.gather [hbm4b:s1+s6], $0x20, s18, s6, $0xb8;
	[tilespmem:$0x2400] =	vst v63  }
0x73: {  	_ =	swait.ge [sflag:s9], $0x1000  }
0x74: {  	[sflag:s9] =	ssyncset.done $0x0  }
0x75: {  	[sflag:s9] =	ssyncadd.s32 $0xFFFFF000  }
0x76: {  	[hbm4b:s19+s3] =	stream.linear.scatter [tilespmem:s7], [sflag:$0x3], $0x1000, $0x38;
	[tilespmem:$0x2400] =	vst v63  }
0x77: {  	_ =	swait.ge [sflag:s4], $0x1000  }
0x78: {  	[sflag:s4] =	ssyncset.done $0x0  }
0x79: {  	[sflag:s4] =	ssyncadd.s32 $0xFFFFF000  }
0x7a: {  	[tilespmem:s7], [sflag:$0x1] =	stream.indirect.gather [hbm4b:s1+s6], $0x20, s20, s6, $0xb8;
	[tilespmem:$0x2400] =	vst v63  }
0x7b: {  	_ =	swait.ge [sflag:s12], $0x1000  }
0x7c: {  	[sflag:s12] =	ssyncset.done $0x0  }
0x7d: {  	[sflag:s12] =	ssyncadd.s32 $0xFFFFF000  }
0x7e: {  	[hbm4b:s21+s3] =	stream.linear.scatter [tilespmem:s8], [sflag:$0x3], $0x1000, $0x38;
	[tilespmem:$0x2400] =	vst v63  }
0x7f: {  	_ =	swait.ge [sflag:s4], $0x1000  }
0x80: {  	[sflag:s4] =	ssyncset.done $0x0  }
0x81: {  	[sflag:s4] =	ssyncadd.s32 $0xFFFFF000  }
0x82: {  	[tilespmem:s8], [sflag:$0x2] =	stream.indirect.gather [hbm4b:s1+s6], $0x20, s22, s6, $0xb8;
	[tilespmem:$0x2400] =	vst v63  }
0x83: {  	_ =	swait.ge [sflag:s9], $0x1000  }
0x84: {  	[sflag:s9] =	ssyncset.done $0x0  }
0x85: {  	[sflag:s9] =	ssyncadd.s32 $0xFFFFF000  }
0x86: {  	[hbm4b:s23+s3] =	stream.linear.scatter [tilespmem:s7], [sflag:$0x3], $0x1000, $0x38;
	[tilespmem:$0x2400] =	vst v63  }
0x87: {  	_ =	swait.ge [sflag:s4], $0x1000  }
0x88: {  	[sflag:s4] =	ssyncset.done $0x0  }
0x89: {  	[sflag:s4] =	ssyncadd.s32 $0xFFFFF000  }
0x8a: {  	_ =	swait.ge [sflag:s12], $0x1000  }
.Ltmp1:
0x8b: {  	[sflag:s12] =	ssyncset.done $0x0;
	(pc) =	sbr.rel @p0 .LBB2_1-.Ltmp1, $4  }
0x8c: {  	[sflag:s12] =	ssyncadd.s32 $0xFFFFF000  }
0x8d: {  	[hbm4b:s24+s3] =	stream.linear.scatter [tilespmem:s8], [sflag:$0x3], $0x1000, $0x38;
	[tilespmem:$0x2400] =	vst v63  }
0x8e: {  	_ =	swait.ge [sflag:s4], $0x1000  }
0x8f: {  	[sflag:s4] =	ssyncset.done $0x0  }
.LBB2_2:
0x90: {  	[sflag:s4] =	ssyncadd.s32 $0xFFFFF000  }
0x91: {  	_ =	sfence.sel $0x180000  }
0x92: {  	[bflag:$0x0] =	sbarrier.arrive $0xFFFF  }
0x93: {  	p0 =	sne.s32 s0, $0x0;
	_ =	strace $0x9000004A  }
0x94: {  	s0 =	sadd.s32 @!p0 $0x100000, s2;
	[bflag:$0x2] =	sbarrier.arrive $0xFFFF  }
0x95: {  	[sflag:s0] =	ssyncadd.tile.s32 @!p0 $0x1;
	_ =	shalt  }
.Lfunc_end2:
_tile_overlayer_lowered:
.L_overlay_start_2:
0x96: {  	(tag) =	ssettag $0x2  }
0x97: {  	s0 =	rddreg [dreg:$0x0];
	s2 =	stileid.u32  }
0x98: {  	s1 =	rddreg [dreg:$0x1];
	p0 =	sne.s32 s2, $0x0  }
0x99: {  	s3 =	rddreg [dreg:$0x2];
	[bflag:$0x3] =	sbarrier.arrive $0xFFFF;
	s2 =	simm.s32 @!p0 $0x1C03  }
0x9a: {  	[timem:s3], [sflag:s2] =	dma.local @!p0 [hbm:s0], s1  }
0x9b: {  	s0 =	simm.s32 @!p0 $0x3  }
0x9c: {  	_ =	swait.ge @!p0 [sflag:s0], s1  }
0x9d: {  	s1 =	ssub.s32 @!p0 $0x0, s1;
	[sflag:s0] =	ssyncset.done @!p0 $0x0  }
0x9e: {  	[sflag:s0] =	ssyncadd.s32 @!p0 s1  }
0x9f: {  	[bflag:$0x3] =	sbarrier.arrive $0xFFFF  }
0xa0: {  	_ =	shalt  }

// kernel: scatter_offload_async_start
scs
__scs_entry_jumppad:
0x0: {  	(pc) =	sbr.rel $0x88, $3  }
0x1: {  	(tag) =	ssettag $0x0;
	lr =	simm.s32 $0x1  }
0x2: {  	[smem:$0x3F9F] =	sst lr;
	_ =	strace $0xD0000000  }
0x3: {  	_ = 	snop  }
0x4: {  	_ = 	snop  }
0x5: {  	_ = 	snop  }
0x6: {  	_ = 	snop  }
0x7: {  	_ = 	snop  }
__scs_overlays_trampoline_lowered:
0x8: {  	[smem:$0x3FAE] =	sst s0  }
0x9: {  	[smem:$0x3FAF] =	sst s1  }
0xa: {  	[smem:$0x3FB0] =	sst s2  }
0xb: {  	[smem:$0x3FB1] =	sst s3  }
0xc: {  	[smem:$0x3FB2] =	sst s4  }
0xd: {  	[smem:$0x3FB3] =	sst s5  }
0xe: {  	[smem:$0x3FB4] =	sst s6  }
0xf: {  	[smem:$0x3FB5] =	sst s7  }
0x10: {  	[smem:$0x3FB6] =	sst s8  }
0x11: {  	[smem:$0x3FB7] =	sst s9;
	s0 =	simm.s32 @!p0 $0x0  }
0x12: {  	s1 =	sld [smem:$0x3F9D];
	s0 =	simm.s32 @p0 $0x1  }
0x13: {  	[smem:$0x3FB8] =	sst s0;
	s0 =	simm.s32 @!p1 $0x0  }
0x14: {  	s2 =	sld [smem:$0x3F9C];
	s0 =	simm.s32 @p1 $0x1  }
0x15: {  	[smem:$0x3FB9] =	sst s0;
	s0 =	simm.s32 @!p2 $0x0  }
0x16: {  	s3 =	sld [smem:$0x3FDB];
	s0 =	simm.s32 @p2 $0x1  }
0x17: {  	s4 =	simm.s32 $0x1BF5;
	[smem:$0x3FBB] =	sst s0  }
0x18: {  	s0 =	sld [smem:$0x3F9E];
	_ =	swait.ge [sflag:s4], $0x0  }
0x19: {  	s7 =	sld [smem:$0x3F9F]  }
0x1a: {  	s8 =	sadd.s32 $0xFFFFE003, lr  }
0x1b: {  	s9 =	sadd.s32 $0xFFFFFEF7, lr;
	s5 =	simm.s32 $0xFFFFFFFF;
	p2 =	slt.u32 s8, $0xFFFFF086  }
0x1c: {  	p1 =	slt.u32 s9, $0xF7A;
	s5 =	simm.s32 @!p2 $0x0  }
0x1d: {  	s5 =	simm.s32 @p1 $0x1;
	p0 =	seq.s32 s7, s2  }
0x1e: {  	s7 =	smul.u32 @!p0 $0xF7A, s2;
	p2 =	seq.s32 @!p0 s5, $0x0  }
0x1f: {  	s9 =	smul.u32 $0xF7A, s1;
	s8 =	simm.s32 @!p0 $0x1BF5;
	p2 =	por !p2, p0  }
0x20: {  	[sflag:s8] =	ssyncset.s32 @!p0 $0xFFFFF086;
	s6 =	sadd.s32 @!p0 s3, s7;
	s7 =	simm.s32 @!p0 $0x108  }
0x21: {  	s3 =	sadd.s32 s3, s9;
	s6 =	sadd.s32 @!p0 $0x88, s6;
	s7 =	simm.s32 @p2 $0x1082  }
0x22: {  	[simem:s7], [sflag:s8] =	dma.local @!p0 [hbm:s6], $0xF7A  }
0x23: {  	s9 =	sor.u32 $0xD0000000, s2;
	s6 =	simm.s32 $0x108;
	_ =	swait.ge @!p0 [sflag:s8], $0x0  }
0x24: {  	s3 =	sadd.s32 $0x88, s3;
	s6 =	simm.s32 @!p1 $0x1082;
	[sflag:s4] =	ssyncset.s32 $0xFFFFF086  }
0x25: {  	[simem:s6], [sflag:s4] =	dma.local [hbm:s3], $0xF7A  }
0x26: {  	[smem:$0x3F9F] =	sst s1;
	(tag) =	ssettag s2;
	_ =	strace s9  }
0x27: {  	s1 =	sld [smem:$0x3FAF]  }
0x28: {  	s2 =	sld [smem:$0x3FB0]  }
0x29: {  	s4 =	sld [smem:$0x3FB2]  }
0x2a: {  	p0 =	seq.s32 s5, $0x0;
	s5 =	sld [smem:$0x3FB3]  }
0x2b: {  	s6 =	sld [smem:$0x3FB4]  }
0x2c: {  	s7 =	sld [smem:$0x3FB5]  }
0x2d: {  	s3 =	simm.s32 $0x108;
	s8 =	sld [smem:$0x3FB6]  }
0x2e: {  	s3 =	simm.s32 @!p0 $0x1082;
	s9 =	sld [smem:$0x3FB7]  }
0x2f: {  	lr =	sadd.s32 s0, s3;
	s0 =	sld [smem:$0x3FAE]  }
0x30: {  	s3 =	sld [smem:$0x3FB1]  }
0x31: {  	[smem:$0x3FBA] =	sst s10  }
0x32: {  	s10 =	sld [smem:$0x3FB8];
	_ =	sdelay $0x3  }
0x33: {  	p0 =	seq.s32 s10, $0x1;
	s10 =	sld [smem:$0x3FBA];
	_ =	sdelay $0x3  }
0x34: {  	[smem:$0x3FBA] =	sst s10  }
0x35: {  	s10 =	sld [smem:$0x3FB9];
	_ =	sdelay $0x3  }
0x36: {  	p1 =	seq.s32 s10, $0x1;
	s10 =	sld [smem:$0x3FBA];
	_ =	sdelay $0x3  }
0x37: {  	[smem:$0x3FBA] =	sst s10  }
0x38: {  	s10 =	sld [smem:$0x3FBB]  }
0x39: {  	_ = 	snop;
	(pc) =	sbr.ind lr, $3  }
0x3a: {  	_ = 	snop  }
0x3b: {  	_ = 	snop  }
0x3c: {  	p2 =	seq.s32 s10, $0x1;
	s10 =	sld [smem:$0x3FBA]  }
0x3d: {  	_ =	shalt  }
0x3e: {  	_ =	shalt  }
0x3f: {  	_ =	shalt  }
0x40: {  	_ =	shalt  }
0x41: {  	_ =	shalt  }
0x42: {  	_ =	shalt  }
0x43: {  	_ =	shalt  }
0x44: {  	_ =	shalt  }
0x45: {  	_ =	shalt  }
0x46: {  	_ =	shalt  }
0x47: {  	_ =	shalt  }
0x48: {  	_ =	shalt  }
0x49: {  	_ =	shalt  }
0x4a: {  	_ =	shalt  }
0x4b: {  	_ =	shalt  }
0x4c: {  	_ =	shalt  }
0x4d: {  	_ =	shalt  }
0x4e: {  	_ =	shalt  }
0x4f: {  	_ =	shalt  }
0x50: {  	_ =	shalt  }
0x51: {  	_ =	shalt  }
0x52: {  	_ =	shalt  }
0x53: {  	_ =	shalt  }
0x54: {  	_ =	shalt  }
0x55: {  	_ =	shalt  }
0x56: {  	_ =	shalt  }
0x57: {  	_ =	shalt  }
0x58: {  	_ =	shalt  }
0x59: {  	_ =	shalt  }
0x5a: {  	_ =	shalt  }
0x5b: {  	_ =	shalt  }
0x5c: {  	_ =	shalt  }
0x5d: {  	_ =	shalt  }
0x5e: {  	_ =	shalt  }
0x5f: {  	_ =	shalt  }
0x60: {  	_ =	shalt  }
0x61: {  	_ =	shalt  }
0x62: {  	_ =	shalt  }
0x63: {  	_ =	shalt  }
0x64: {  	_ =	shalt  }
0x65: {  	_ =	shalt  }
0x66: {  	_ =	shalt  }
0x67: {  	_ =	shalt  }
0x68: {  	_ =	shalt  }
0x69: {  	_ =	shalt  }
0x6a: {  	_ =	shalt  }
0x6b: {  	_ =	shalt  }
0x6c: {  	_ =	shalt  }
0x6d: {  	_ =	shalt  }
0x6e: {  	_ =	shalt  }
0x6f: {  	_ =	shalt  }
0x70: {  	_ =	shalt  }
0x71: {  	_ =	shalt  }
0x72: {  	_ =	shalt  }
0x73: {  	_ =	shalt  }
0x74: {  	_ =	shalt  }
0x75: {  	_ =	shalt  }
0x76: {  	_ =	shalt  }
0x77: {  	_ =	shalt  }
0x78: {  	_ =	shalt  }
0x79: {  	_ =	shalt  }
0x7a: {  	_ =	shalt  }
0x7b: {  	_ =	shalt  }
0x7c: {  	_ =	shalt  }
0x7d: {  	_ =	shalt  }
0x7e: {  	_ =	shalt  }
0x7f: {  	_ =	shalt  }
0x80: {  	_ =	shalt  }
0x81: {  	_ =	shalt  }
0x82: {  	_ =	shalt  }
0x83: {  	_ =	shalt  }
0x84: {  	_ =	shalt  }
0x85: {  	_ =	shalt  }
0x86: {  	_ =	shalt  }
0x87: {  	_ =	shalt  }
.Lfunc_end0:
.L_simem_size_0:
called_computation_lowered:
.L_overlay_start_0:
0x88: {  	s0 =	sld [smem:$0x3FD9]  }
0x89: {  	s1 =	sld [smem:$0x3FFE];
	_ =	sdelay $0x3  }
0x8a: {  	s0 =	sadd.s32 s1, s0  }
0x8b: {  	[smem:$0x3FC6] =	sst s0  }
0x8c: {  	_ = 	snop  }
0x8d: {  	(tm) =	ssettm $0x1  }
0x8e: {  	s15 =	sld [smem:$0x3FFB];
	_ =	sdelay $0x3  }
0x8f: {  	_ =	strace s15  }
0x90: {  	s0 =	sld [smem:$0x3FFC];
	_ =	sdelay $0x3  }
0x91: {  	_ =	strace s0  }
0x92: {  	s0 =	sld [smem:$0x3FFD];
	_ =	sdelay $0x3  }
0x93: {  	_ =	strace s0  }
0x94: {  	_ =	strace $0x8FFFFFFF  }
0x95: {  	s16 =	sld [smem:$0x3FDB];
	_ =	sdelay $0x1  }
0x96: {  	s17 =	simm.s32 $_scs_section_size  }
0x97: {  	s2 =	simm.s32 $_size__tile_overlayer_lowered;
	s3 =	simm.s32 $_tile_overlayer_lowered  }
0x98: {  	s20 =	simm.s32 $0x1BFF;
	s19 =	sshll.u32 s3, $0x1;
	s0 =	sadd.s32 s17, s16  }
0x99: {  	s4 =	simm.s32 $0x0;
	s18 =	sshll.u32 s2, $0x1;
	s2 =	sadd.s32 s19, s0  }
0x9a: {  	[timem:s4], [sflag:s20] =	dma.local [hbm:s2], s18  }
0x9b: {  	_ =	swait.ge [sflag:s20], s18  }
0x9c: {  	s1 =	ssub.s32 $0x0, s18;
	[sflag:s20] =	ssyncset.done $0x0  }
0x9d: {  	[sflag:s20] =	ssyncadd.s32 s1;
	_ =	sdelay $0x1  }
0x9e: {  	s21 =	simm.s32 $0x1B8B  }
0x9f: {  	_ =	swait.ge [sflag:s21], $0x1  }
0xa0: {  	[sflag:s21] =	ssyncset.done $0x0  }
0xa1: {  	s23 =	simm.s32 $0x1B8E;
	s22 =	sld [smem:$0x3FFE];
	[sflag:s21] =	ssyncadd.s32 $0xFFFFFFFF  }
0xa2: {  	s24 =	simm.s32 $execute0_lowered;
	[smem:$0x3FD2] =	sst s23  }
0xa3: {  	s2 =	sshll.u32 s24, $0x1;
	_ =	strace $0x80000046;
	[dreg:$0x1] =	wrdreg $0xFFFFFFFF  }
0xa4: {  	s25 =	simm.s32 $_size_execute0_lowered;
	s0 =	sadd.s32 s0, s2;
	[dreg:$0x0] =	wrdreg $0x0  }
0xa5: {  	s2 =	sshll.u32 s25, $0x1;
	[dreg:$0x2] =	wrdreg s0  }
0xa6: {  	[dreg:$0x3] =	wrdreg s2  }
0xa7: {  	[dreg:$0x4] =	wrdreg $0xC0  }
0xa8: {  	_ =	task [dreg:s4], $0x5FFFF  }
0xa9: {  	[dreg:$0x1] =	wrdreg $0xFFFFFFFF  }
0xaa: {  	[dreg:$0x0] =	wrdreg $0x60  }
0xab: {  	[dreg:$0x2] =	wrdreg s22  }
0xac: {  	[dreg:$0x3] =	wrdreg $0x9  }
0xad: {  	_ =	task.clear_ibuf [dreg:s4], $0x4FFFF;
	_ =	strace $0x90000046  }
0xae: {  	s26 =	simm.s32 $0x9;
	_ =	strace $0x80000048  }
0xaf: {  	_ =	swait.ge [sflag:s26], $0x1  }
0xb0: {  	[sflag:s26] =	ssyncadd.s32 $0xFFFFFFFF  }
0xb1: {  	_ =	strace $0x90000048  }
0xb2: {  	_ =	sfence  }
0xb3: {  	s28 =	sld [smem:$0x0];
	_ =	sdelay $0x1  }
0xb4: {  	s29 =	srdreg.scid  }
0xb5: {  	s30 =	sshll.u32 s29, $0xD;
	s31 =	sshrl.u32 s29, $0x2  }
0xb6: {  	s1 =	sand.u32 $0x1, s29;
	s2 =	sand.u32 $0x4000, s30;
	s0 =	sadd.s32 s31, s28  }
0xb7: {  	s1 =	sor.u32 s2, s1;
	s0 =	sshll.u32 s0, $0x11  }
0xb8: {  	s0 =	sor.u32 s0, s1  }
0xb9: {  	s0 =	sadd.s32 $0x8F2B, s0  }
0xba: {  	[sflag:s0] =	ssyncadd.remote.s32 $0x1  }
0xbb: {  	_ =	sfence.sel $0xFFFF  }
0xbc: {  	[dreg:$0x0] =	wrdreg $0xFFFFFFFF;
	(pc) =	sbr.abs _section_cstart, $3  }
0xbd: {  	[dreg:$0x1] =	wrdreg $0xFFFFFFFF  }
0xbe: {  	_ =	task.clear_ibuf [dreg:s4], $0x2FFFF;
	_ =	strace $0x9FFFFFFF  }
0xbf: {  	(tm) =	ssettm $0x7FFFFFFF  }
tec
execute0_lowered:
.L_overlay_start_1:
0x0: {  	(tag) =	ssettag $0x1  }
0x1: {  	s2 =	rddreg [dreg:$0x0]  }
0x2: {  	s0 =	rddreg [dreg:$0x1];
	_ =	strace $0x80000047;
	s3 =	stileid.u32  }
0x3: {  	s4 =	simm.s32 $0x3E;
	s1 =	sadd.s32 $0x9000, s2;
	p0 =	sne.s32 s3, $0x0  }
0x4: {  	[sflag:s4] =	ssyncpa.u1 $0x0;
	s5 =	simm.s32 @!p0 $0x1C3E;
	s6 =	simm.s32 @!p0 $0x0  }
0x5: {  	[spmem:s6], [sflag:s5] =	dma.local @!p0 [hbm:s1], $0x400  }
0x6: {  	s5 =	simm.s32 @!p0 $0x3E  }
0x7: {  	_ =	swait.ge @!p0 [sflag:s5], $0x400  }
0x8: {  	[sflag:s5] =	ssyncset.done @!p0 $0x0  }
0x9: {  	s26 =	simm.s32 $0x1;
	[sflag:s5] =	ssyncadd.s32 @!p0 $0xFFFFFC00  }
0xa: {  	s29 =	simm.s32 $0x2;
	s7 =	simm.s32 $0xA00;
	[bflag:$0x0] =	sbarrier.arrive $0xFFFF  }
0xb: {  	s28 =	sadd.s32 $0x8000, s2;
	s30 =	sadd.s32 $0x9400, s2;
	[sflag:s4] =	ssyncpa.u1 $0x1  }
0xc: {  	s3 =	sshll.u32 s3, $0x8;
	s2 =	simm.s32 $0x0;
	[sflag:s26] =	ssyncpa.u1 $0x0  }
0xd: {  	s4 =	sadd.s32 s28, s3;
	(ifvalue) =	ssetifvalue $0x2000;
	[sflag:s29] =	ssyncpa.u1 $0x0  }
0xe: {  	[tilespmem:s7], [sflag:$0x2] =	stream.linear.gather [hbm4b:s4+s2], $0x800, $0x38;
	[tilespmem:$0x2200] =	vst v63  }
0xf: {  	s31 =	sadd.s32 s30, s3;
	s3 =	simm.s32 $0x1A00  }
0x10: {  	[tilespmem:s3], [sflag:$0x2] =	stream.linear.gather [hbm4b:s31+s2], $0x800, $0x38;
	[tilespmem:$0x2200] =	vst v63  }
0x11: {  	_ =	swait.ge [sflag:s29], $0x1000  }
0x12: {  	[sflag:s29] =	ssyncset.done $0x0  }
0x13: {  	[sflag:s29] =	ssyncadd.s32 $0xFFFFF000  }
0x14: {  	v0 =	vld.msk [tilespmem:s7+$0x0 ss:$0x1], $0xffff;
	_ =	sdelay $0x4  }
0x15: {  	v0 =	vmin.u32 v0, $0x2000;
	_ =	sdelay $0x3  }
0x16: {  	vm0 =	vmmov $0xffff;
	s5 =	simm.s32 $0xA10;
	s4 =	simm.s32 $0x0  }
0x17: {  	[spmem:s2] =	stream.indirect_vreg.scatter.add.s32 [tilespmem:s3], [sflag:$0x1], $0x1, v0, vm0, $0x4038;
	[tilespmem:$0x2200] =	vst v63  }
.LBB2_1:
0x18: {  	v0 =	vld.msk [tilespmem:s5+$0x0 ss:$0x1], $0xffff;
	s4 =	sadd.s32 $0x10, s4  }
0x19: {  	p1 =	slt.u32 s4, $0x7F0;
	_ =	sdelay $0x4  }
0x1a: {  	v0 =	vmin.u32 v0, $0x2000  }
.Ltmp0:
0x1b: {  	(pc) =	sbr.rel @p1 .LBB2_1-.Ltmp0, $3  }
0x1c: {  	_ =	sdelay $0x1  }
0x1d: {  	s5 =	sadd.s32 $0x10, s5;
	s3 =	sadd.s32 $0x10, s3  }
0x1e: {  	[spmem:s2] =	stream.indirect_vreg.scatter.add.s32 [tilespmem:s3], [sflag:$0x1], $0x1, v0, vm0, $0x4038;
	[tilespmem:$0x2200] =	vst v63  }
0x1f: {  	s2 =	simm.s32 $0x1  }
0x20: {  	_ =	swait.ge [sflag:s2], $0x800  }
0x21: {  	[sflag:s2] =	ssyncset.done $0x0  }
0x22: {  	[sflag:s2] =	ssyncadd.s32 $0xFFFFF800  }
0x23: {  	_ =	sfence.sel $0x180000  }
0x24: {  	s3 =	simm.s32 $0x2;
	[bflag:$0x0] =	sbarrier.arrive $0xFFFF  }
0x25: {  	[sflag:s3] =	ssyncpa.u1 $0x1  }
0x26: {  	[sflag:s2] =	ssyncpa.u1 $0x1  }
0x27: {  	_ =	sfence.stream.spmem  }
0x28: {  	s31 =	simm.s32 $0x3D;
	[bflag:$0x0] =	sbarrier.arrive $0xFFFF  }
0x29: {  	s2 =	simm.s32 @p0 $0x3D;
	[sflag:s31] =	ssyncpa.u1 $0x0  }
0x2a: {  	[sflag:s2] =	ssyncpa.u1 @p0 $0x1  }
0x2b: {  	[bflag:$0x0] =	sbarrier.arrive @p0 $0xFFFF  }
0x2c: {  	_ =	strace @p0 $0x90000047  }
0x2d: {  	s3 =	simm.s32 @!p0 $0x1C3D;
	s2 =	simm.s32 @!p0 $0x0;
	[bflag:$0x2] =	sbarrier.arrive @p0 $0xFFFF  }
0x2e: {  	[hbm:s1], [sflag:s3] =	dma.local @!p0 [spmem:s2], $0x400  }
0x2f: {  	s1 =	simm.s32 @!p0 $0x3D  }
0x30: {  	_ =	swait.ge @!p0 [sflag:s1], $0x400  }
0x31: {  	[sflag:s1] =	ssyncset.done @!p0 $0x0  }
0x32: {  	[sflag:s1] =	ssyncadd.s32 @!p0 $0xFFFFFC00  }
0x33: {  	[sflag:s1] =	ssyncpa.u1 @!p0 $0x1  }
0x34: {  	[bflag:$0x0] =	sbarrier.arrive @!p0 $0xFFFF  }
0x35: {  	_ =	strace @!p0 $0x90000047  }
0x36: {  	s0 =	sadd.s32 @!p0 $0x100000, s0;
	[bflag:$0x2] =	sbarrier.arrive @!p0 $0xFFFF  }
0x37: {  	[sflag:s0] =	ssyncadd.tile.s32 @!p0 $0x1;
	_ =	shalt  }
.Lfunc_end2:
_tile_overlayer_lowered:
.L_overlay_start_2:
0x38: {  	(tag) =	ssettag $0x2  }
0x39: {  	s0 =	rddreg [dreg:$0x0];
	s2 =	stileid.u32  }
0x3a: {  	s1 =	rddreg [dreg:$0x1];
	p0 =	sne.s32 s2, $0x0  }
0x3b: {  	s3 =	rddreg [dreg:$0x2];
	[bflag:$0x3] =	sbarrier.arrive $0xFFFF;
	s2 =	simm.s32 @!p0 $0x1C01  }
0x3c: {  	[timem:s3], [sflag:s2] =	dma.local @!p0 [hbm:s0], s1  }
0x3d: {  	s0 =	simm.s32 @!p0 $0x1  }
0x3e: {  	_ =	swait.ge @!p0 [sflag:s0], s1  }
0x3f: {  	s1 =	ssub.s32 @!p0 $0x0, s1;
	[sflag:s0] =	ssyncset.done @!p0 $0x0  }
0x40: {  	[sflag:s0] =	ssyncadd.s32 @!p0 s1  }
0x41: {  	[bflag:$0x3] =	sbarrier.arrive $0xFFFF  }
0x42: {  	_ =	shalt  }

</sc_bundles>
